<compile_context>
chip_gen: v7x
topology: tpu7x:2x2x1
jax: 0.10.2.dev20260603
libtpu: 0.0.44.dev20260713+nightly
codegen_flags: <defaults>
</compile_context>

<pallas_src>
import functools

import jax
import jax.numpy as jnp
from jax import lax
from jax.experimental import pallas as pl
from jax.experimental.pallas import tpu as pltpu
from jax.experimental.pallas import tpu_sc as plsc

_CHUNK = 512
_NBUF = 5
_L16 = 16


@functools.lru_cache(maxsize=None)
def _build_flatten(batch: int, seqlen: int):
    info = plsc.get_sparse_core_info()
    nw = info.num_cores * info.num_subcores
    nc = info.num_cores
    assert batch % nw == 0
    s_per_w = batch // nw
    per_w = s_per_w * seqlen
    assert seqlen % 8 == 0

    mesh = plsc.VectorSubcoreMesh(core_axis_name="c", subcore_axis_name="s")

    @functools.partial(
        pl.kernel,
        out_type=jax.ShapeDtypeStruct((batch * seqlen,), jnp.int32),
        mesh=mesh,
        scratch_types=[
            pltpu.VMEM((s_per_w, seqlen), jnp.int32),
            pltpu.VMEM((per_w,), jnp.int32),
        ],
        compiler_params=pltpu.CompilerParams(use_tc_tiling_on_sc=True),
    )
    def flatten_kernel(ids_hbm, out_hbm, raw_v, flat_v):
        wid = lax.axis_index("s") * nc + lax.axis_index("c")
        pltpu.sync_copy(ids_hbm.at[pl.ds(wid * s_per_w, s_per_w)], raw_v)

        starts = list(range(0, seqlen - _L16, _L16)) + [seqlen - _L16]

        @pl.loop(0, s_per_w)
        def _(i):
            base = pl.multiple_of(seqlen * i, 8)
            for c in starts:
                flat_v[pl.ds(base + c, _L16)] = raw_v[i, pl.ds(c, _L16)]

        pltpu.sync_copy(flat_v, out_hbm.at[pl.ds(wid * per_w, per_w)])

    return flatten_kernel


@functools.lru_cache(maxsize=None)
def _build_gather(n_tokens: int, vocab: int, embed: int):
    info = plsc.get_sparse_core_info()
    nw = info.num_cores * info.num_subcores
    assert n_tokens % (nw * _CHUNK) == 0
    per_w = n_tokens // nw
    nchunk = per_w // _CHUNK
    assert nchunk % _NBUF == 0
    nc = info.num_cores

    mesh = plsc.VectorSubcoreMesh(core_axis_name="c", subcore_axis_name="s")

    @functools.partial(
        pl.kernel,
        out_type=jax.ShapeDtypeStruct((n_tokens, embed), jnp.float32),
        mesh=mesh,
        scratch_types=[
            pltpu.VMEM((per_w,), jnp.int32),
            pltpu.VMEM((_NBUF, _CHUNK, embed), jnp.float32),
            pltpu.SemaphoreType.DMA((_NBUF,)),
            pltpu.SemaphoreType.DMA((_NBUF,)),
        ],
        compiler_params=pltpu.CompilerParams(use_tc_tiling_on_sc=False),
    )
    def gather_kernel(ids_hbm, table_hbm, out_hbm, idx_v, rows_v, gsem, ssem):
        wid = lax.axis_index("s") * nc + lax.axis_index("c")
        row0 = wid * per_w

        pltpu.sync_copy(ids_hbm.at[pl.ds(row0, per_w)], idx_v)

        def gather(buf, chunk):
            return pltpu.make_async_copy(
                table_hbm.at[idx_v.at[pl.ds(chunk * _CHUNK, _CHUNK)]],
                rows_v.at[buf], gsem.at[buf])

        def scatter(buf, chunk):
            return pltpu.make_async_copy(
                rows_v.at[buf],
                out_hbm.at[pl.ds(row0 + chunk * _CHUNK, _CHUNK)],
                ssem.at[buf])

        for b in range(_NBUF):
            gather(b, b).start()

        @pl.loop(0, nchunk, step=_NBUF)
        def _(j):
            for b in range(_NBUF):
                gather(b, j + b).wait()
                scatter(b, j + b).start()
            for b in range(_NBUF):
                scatter(b, j + b).wait()

                @pl.when(j + b + _NBUF < nchunk)
                def _():
                    gather(b, j + b + _NBUF).start()

    return gather_kernel


@functools.lru_cache(maxsize=None)
def _build_repack(batch: int, seqlen: int, embed: int):
    info = plsc.get_sparse_core_info()
    nw = info.num_cores * info.num_subcores
    nc = info.num_cores
    assert batch % nw == 0
    s_per_w = batch // nw
    nbuf = 2
    words_per_seq = seqlen * embed

    mesh = plsc.VectorSubcoreMesh(core_axis_name="c", subcore_axis_name="s")

    @functools.partial(
        pl.kernel,
        out_type=jax.ShapeDtypeStruct((batch * seqlen, embed), jnp.float32),
        mesh=mesh,
        scratch_types=[
            pltpu.VMEM((nbuf, words_per_seq), jnp.float32),
            pltpu.VMEM((nbuf, seqlen, embed), jnp.float32),
            pltpu.SemaphoreType.DMA((nbuf,)),
            pltpu.SemaphoreType.DMA((nbuf,)),
        ],
        compiler_params=pltpu.CompilerParams(use_tc_tiling_on_sc=True),
    )
    def repack_kernel(flat_hbm, out_hbm, in_v, line_v, isem, osem):
        wid = lax.axis_index("s") * nc + lax.axis_index("c")
        seq0 = wid * s_per_w

        def load(buf, j):
            return pltpu.make_async_copy(
                flat_hbm.at[pl.ds((seq0 + j) * words_per_seq, words_per_seq)],
                in_v.at[buf], isem.at[buf])

        def store(buf, j):
            return pltpu.make_async_copy(
                line_v.at[buf],
                out_hbm.at[pl.ds((seq0 + j) * seqlen, seqlen)],
                osem.at[buf])

        for b in range(nbuf):
            load(b, b).start()

        @pl.loop(0, s_per_w, step=nbuf)
        def _(j):
            for b in range(nbuf):
                load(b, j + b).wait()

                @pl.when(j + b >= nbuf)
                def _():
                    store(b, j + b - nbuf).wait()

                @pl.loop(0, seqlen)
                def _(t, _b=b):
                    src = pl.multiple_of(embed * t, 8)
                    for h in range(0, embed, _L16):
                        line_v[_b, t, pl.ds(h, _L16)] = (
                            in_v[_b, pl.ds(src + h, _L16)])

                store(b, j + b).start()

                @pl.when(j + b + nbuf < s_per_w)
                def _():
                    load(b, j + b + nbuf).start()

        for b in range(nbuf):
            store(b, s_per_w - nbuf + b).wait()

    return repack_kernel


def kernel(input_ids, embedding_table):
    b, l = input_ids.shape
    vocab, embed = embedding_table.shape
    ids_flat = _build_flatten(b, l)(input_ids)
    out = _build_gather(b * l, vocab, embed)(ids_flat, embedding_table)
    out = _build_repack(b, l, embed)(out.reshape(b * l * embed))
    return out.reshape(b, l, embed)

# --- scband reference (transcript-rebuilt; emitter-appended) ---
"""Pipeline reference for scband-word-piece-embedding-layer-39951785788020 (READ-ONLY COPY).

The authoritative reference and input builder live on the scoring server;
editing this copy changes nothing except your own understanding.
"""

import jax, jax.numpy as jnp
import numpy as np

VOCAB = 1000000
EMBED = 32
B, L = 4096, 200


def setup_inputs(seed: int = 0) -> dict:
    key = jax.random.key(seed)
    k1, k2 = jax.random.split(key)
    input_ids = jax.random.randint(k1, (B, L), 0, VOCAB, dtype=jnp.int32)
    # TruncatedNormal(stddev=initializer_range=0.02)
    embedding_table = jax.random.truncated_normal(k2, -2.0, 2.0, (VOCAB, EMBED), dtype=jnp.float32) * 0.02
    return {"input_ids": input_ids, "embedding_table": embedding_table}


def reference(input_ids, embedding_table):
    # Mirrors WordPieceEmbeddingLayer.call with use_one_hot_embeddings=False
    ids = input_ids
    if ids.ndim == 2:
        ids = ids[..., None]  # expand_dims -> [B, L, 1]
    flat_input_ids = ids.reshape(-1)
    output = jnp.take(embedding_table, flat_input_ids, axis=0)  # gather
    # reshape to input_shape[0:-1] + [last_dim * embedding_size] -> [B, L, 1*EMBED]
    output = output.reshape(ids.shape[0], ids.shape[1], ids.shape[2] * EMBED)
    return output

if __name__ == "__main__":
    import jax
    _d = setup_inputs()
    print(jax.jit(kernel)(*tuple(_d.values())))

</pallas_src>

<mosaic_0001>
#map = affine_map<(d0, d1) -> (0)>
#map1 = affine_map<(d0, d1) -> (0, 0)>
module attributes {stable_mosaic.version = 14 : i64} {
  func.func @gather_kernel(%arg0: i32, %arg1: i32, %arg2: memref<819200xi32, #tpu.memory_space<hbm>>, %arg3: memref<1000000x32xf32, #tpu.memory_space<hbm>>, %arg4: memref<819200x32xf32, #tpu.memory_space<hbm>>, %arg5: memref<25600xi32, #tpu.memory_space<vmem>>, %arg6: memref<5x512x32xf32, #tpu.memory_space<vmem>>, %arg7: memref<5x!tpu.dma_semaphore, #tpu.memory_space<semaphore_mem>>, %arg8: memref<5x!tpu.dma_semaphore, #tpu.memory_space<semaphore_mem>>) attributes {dimension_semantics = [#tpu.dimension_semantics<core_parallel>, #tpu.dimension_semantics<subcore_parallel>], iteration_bounds = array<i64: 2, 16>, scalar_prefetch = 0 : i64, scratch_operands = 4 : i64, tpu.core_type = #tpu.core_type<sc_vector_subcore>, window_params = [{transform_indices = #map}, {transform_indices = #map1}, {transform_indices = #map1}]} {
    %mul3A = arith.constant 2 : i32
    %mul3A_0 = arith.muli %arg1, %mul3A : i32
    %add3A = arith.addi %mul3A_0, %arg0 : i32
    %mul3A_1 = arith.constant 25600 : i32
    %mul3A_2 = arith.muli %add3A, %mul3A_1 : i32
    "tpu.region"() ({
      %run_scoped3A = tpu.sem_alloc : memref<!tpu.dma_semaphore, #tpu.memory_space<semaphore_mem>>
      %dma_start3A_71 = tpu.memref_slice %arg2[%mul3A_2] : memref<819200xi32, #tpu.memory_space<hbm>> -> memref<25600xi32, #tpu.memory_space<hbm>>
      %dma_start3A_72 = tpu.memref_slice %arg2[%mul3A_2] : memref<819200xi32, #tpu.memory_space<hbm>> -> memref<25600xi32, #tpu.memory_space<hbm>>
      tpu.enqueue_dma source(%dma_start3A_72 : memref<25600xi32, #tpu.memory_space<hbm>>) target(%arg5 : memref<25600xi32, #tpu.memory_space<vmem>>) target_semaphore(%run_scoped3A : memref<!tpu.dma_semaphore, #tpu.memory_space<semaphore_mem>>)
      %dma_wait3A = tpu.memref_slice %arg2[%mul3A_2] : memref<819200xi32, #tpu.memory_space<hbm>> -> memref<25600xi32, #tpu.memory_space<hbm>>
      %dma_wait3A_73 = tpu.memref_slice %arg2[%mul3A_2] : memref<819200xi32, #tpu.memory_space<hbm>> -> memref<25600xi32, #tpu.memory_space<hbm>>
      tpu.wait_dma2 semaphore(%run_scoped3A : memref<!tpu.dma_semaphore, #tpu.memory_space<semaphore_mem>>) src(%dma_wait3A_73 : memref<25600xi32, #tpu.memory_space<hbm>>) dst(%arg5 : memref<25600xi32, #tpu.memory_space<vmem>>)
      tpu.yield
    }) : () -> ()
    %dma_start3A = arith.constant 0 : i32
    %dma_start3A_3 = arith.constant 0 : i32
    %dma_start3A_4 = arith.constant 0 : i32
    %dma_start3A_5 = arith.constant 0 : i32
    %dma_start3A_6 = tpu.memref_slice %arg6[%dma_start3A, %dma_start3A_4, %dma_start3A_5] : memref<5x512x32xf32, #tpu.memory_space<vmem>> -> memref<1x512x32xf32, #tpu.memory_space<vmem>>
    %dma_start3A_7 = tpu.memref_squeeze %dma_start3A_6 : memref<1x512x32xf32, #tpu.memory_space<vmem>> -> memref<512x32xf32, #tpu.memory_space<vmem>>
    %dma_start3A_8 = arith.constant 0 : i32
    %dma_start3A_9 = tpu.memref_slice %arg5[%dma_start3A_8] : memref<25600xi32, #tpu.memory_space<vmem>> -> memref<512xi32, #tpu.memory_space<vmem>>
    %dma_start3A_10 = arith.constant 0 : i32
    %dma_start3A_11 = arith.constant 0 : i32
    %dma_start3A_12 = tpu.memref_slice %arg3[%dma_start3A_10, %dma_start3A_11] : memref<1000000x32xf32, #tpu.memory_space<hbm>> -> memref<1000000x32xf32, #tpu.memory_space<hbm>>
    %dma_start3A_13 = tpu.memref_slice %arg7[%dma_start3A_3] : memref<5x!tpu.dma_semaphore, #tpu.memory_space<semaphore_mem>> -> memref<1x!tpu.dma_semaphore, #tpu.memory_space<semaphore_mem>>
    %dma_start3A_14 = tpu.memref_squeeze %dma_start3A_13 : memref<1x!tpu.dma_semaphore, #tpu.memory_space<semaphore_mem>> -> memref<!tpu.dma_semaphore, #tpu.memory_space<semaphore_mem>>
    tpu.enqueue_indirect_dma source(%dma_start3A_12 : memref<1000000x32xf32, #tpu.memory_space<hbm>>) target(%dma_start3A_7 : memref<512x32xf32, #tpu.memory_space<vmem>>) offsets(%dma_start3A_9 : memref<512xi32, #tpu.memory_space<vmem>>) semaphore(%dma_start3A_14 : memref<!tpu.dma_semaphore, #tpu.memory_space<semaphore_mem>>)
    %dma_start3A_15 = arith.constant 1 : i32
    %dma_start3A_16 = arith.constant 1 : i32
    %dma_start3A_17 = arith.constant 0 : i32
    %dma_start3A_18 = arith.constant 0 : i32
    %dma_start3A_19 = tpu.memref_slice %arg6[%dma_start3A_15, %dma_start3A_17, %dma_start3A_18] : memref<5x512x32xf32, #tpu.memory_space<vmem>> -> memref<1x512x32xf32, #tpu.memory_space<vmem>>
    %dma_start3A_20 = tpu.memref_squeeze %dma_start3A_19 : memref<1x512x32xf32, #tpu.memory_space<vmem>> -> memref<512x32xf32, #tpu.memory_space<vmem>>
    %dma_start3A_21 = arith.constant 512 : i32
    %dma_start3A_22 = tpu.memref_slice %arg5[%dma_start3A_21] : memref<25600xi32, #tpu.memory_space<vmem>> -> memref<512xi32, #tpu.memory_space<vmem>>
    %dma_start3A_23 = arith.constant 0 : i32
    %dma_start3A_24 = arith.constant 0 : i32
    %dma_start3A_25 = tpu.memref_slice %arg3[%dma_start3A_23, %dma_start3A_24] : memref<1000000x32xf32, #tpu.memory_space<hbm>> -> memref<1000000x32xf32, #tpu.memory_space<hbm>>
    %dma_start3A_26 = tpu.memref_slice %arg7[%dma_start3A_16] : memref<5x!tpu.dma_semaphore, #tpu.memory_space<semaphore_mem>> -> memref<1x!tpu.dma_semaphore, #tpu.memory_space<semaphore_mem>>
    %dma_start3A_27 = tpu.memref_squeeze %dma_start3A_26 : memref<1x!tpu.dma_semaphore, #tpu.memory_space<semaphore_mem>> -> memref<!tpu.dma_semaphore, #tpu.memory_space<semaphore_mem>>
    tpu.enqueue_indirect_dma source(%dma_start3A_25 : memref<1000000x32xf32, #tpu.memory_space<hbm>>) target(%dma_start3A_20 : memref<512x32xf32, #tpu.memory_space<vmem>>) offsets(%dma_start3A_22 : memref<512xi32, #tpu.memory_space<vmem>>) semaphore(%dma_start3A_27 : memref<!tpu.dma_semaphore, #tpu.memory_space<semaphore_mem>>)
    %dma_start3A_28 = arith.constant 2 : i32
    %dma_start3A_29 = arith.constant 2 : i32
    %dma_start3A_30 = arith.constant 0 : i32
    %dma_start3A_31 = arith.constant 0 : i32
    %dma_start3A_32 = tpu.memref_slice %arg6[%dma_start3A_28, %dma_start3A_30, %dma_start3A_31] : memref<5x512x32xf32, #tpu.memory_space<vmem>> -> memref<1x512x32xf32, #tpu.memory_space<vmem>>
    %dma_start3A_33 = tpu.memref_squeeze %dma_start3A_32 : memref<1x512x32xf32, #tpu.memory_space<vmem>> -> memref<512x32xf32, #tpu.memory_space<vmem>>
    %dma_start3A_34 = arith.constant 1024 : i32
    %dma_start3A_35 = tpu.memref_slice %arg5[%dma_start3A_34] : memref<25600xi32, #tpu.memory_space<vmem>> -> memref<512xi32, #tpu.memory_space<vmem>>
    %dma_start3A_36 = arith.constant 0 : i32
    %dma_start3A_37 = arith.constant 0 : i32
    %dma_start3A_38 = tpu.memref_slice %arg3[%dma_start3A_36, %dma_start3A_37] : memref<1000000x32xf32, #tpu.memory_space<hbm>> -> memref<1000000x32xf32, #tpu.memory_space<hbm>>
    %dma_start3A_39 = tpu.memref_slice %arg7[%dma_start3A_29] : memref<5x!tpu.dma_semaphore, #tpu.memory_space<semaphore_mem>> -> memref<1x!tpu.dma_semaphore, #tpu.memory_space<semaphore_mem>>
    %dma_start3A_40 = tpu.memref_squeeze %dma_start3A_39 : memref<1x!tpu.dma_semaphore, #tpu.memory_space<semaphore_mem>> -> memref<!tpu.dma_semaphore, #tpu.memory_space<semaphore_mem>>
    tpu.enqueue_indirect_dma source(%dma_start3A_38 : memref<1000000x32xf32, #tpu.memory_space<hbm>>) target(%dma_start3A_33 : memref<512x32xf32, #tpu.memory_space<vmem>>) offsets(%dma_start3A_35 : memref<512xi32, #tpu.memory_space<vmem>>) semaphore(%dma_start3A_40 : memref<!tpu.dma_semaphore, #tpu.memory_space<semaphore_mem>>)
    %dma_start3A_41 = arith.constant 3 : i32
    %dma_start3A_42 = arith.constant 3 : i32
    %dma_start3A_43 = arith.constant 0 : i32
    %dma_start3A_44 = arith.constant 0 : i32
    %dma_start3A_45 = tpu.memref_slice %arg6[%dma_start3A_41, %dma_start3A_43, %dma_start3A_44] : memref<5x512x32xf32, #tpu.memory_space<vmem>> -> memref<1x512x32xf32, #tpu.memory_space<vmem>>
    %dma_start3A_46 = tpu.memref_squeeze %dma_start3A_45 : memref<1x512x32xf32, #tpu.memory_space<vmem>> -> memref<512x32xf32, #tpu.memory_space<vmem>>
    %dma_start3A_47 = arith.constant 1536 : i32
    %dma_start3A_48 = tpu.memref_slice %arg5[%dma_start3A_47] : memref<25600xi32, #tpu.memory_space<vmem>> -> memref<512xi32, #tpu.memory_space<vmem>>
    %dma_start3A_49 = arith.constant 0 : i32
    %dma_start3A_50 = arith.constant 0 : i32
    %dma_start3A_51 = tpu.memref_slice %arg3[%dma_start3A_49, %dma_start3A_50] : memref<1000000x32xf32, #tpu.memory_space<hbm>> -> memref<1000000x32xf32, #tpu.memory_space<hbm>>
    %dma_start3A_52 = tpu.memref_slice %arg7[%dma_start3A_42] : memref<5x!tpu.dma_semaphore, #tpu.memory_space<semaphore_mem>> -> memref<1x!tpu.dma_semaphore, #tpu.memory_space<semaphore_mem>>
    %dma_start3A_53 = tpu.memref_squeeze %dma_start3A_52 : memref<1x!tpu.dma_semaphore, #tpu.memory_space<semaphore_mem>> -> memref<!tpu.dma_semaphore, #tpu.memory_space<semaphore_mem>>
    tpu.enqueue_indirect_dma source(%dma_start3A_51 : memref<1000000x32xf32, #tpu.memory_space<hbm>>) target(%dma_start3A_46 : memref<512x32xf32, #tpu.memory_space<vmem>>) offsets(%dma_start3A_48 : memref<512xi32, #tpu.memory_space<vmem>>) semaphore(%dma_start3A_53 : memref<!tpu.dma_semaphore, #tpu.memory_space<semaphore_mem>>)
    %dma_start3A_54 = arith.constant 4 : i32
    %dma_start3A_55 = arith.constant 4 : i32
    %dma_start3A_56 = arith.constant 0 : i32
    %dma_start3A_57 = arith.constant 0 : i32
    %dma_start3A_58 = tpu.memref_slice %arg6[%dma_start3A_54, %dma_start3A_56, %dma_start3A_57] : memref<5x512x32xf32, #tpu.memory_space<vmem>> -> memref<1x512x32xf32, #tpu.memory_space<vmem>>
    %dma_start3A_59 = tpu.memref_squeeze %dma_start3A_58 : memref<1x512x32xf32, #tpu.memory_space<vmem>> -> memref<512x32xf32, #tpu.memory_space<vmem>>
    %dma_start3A_60 = arith.constant 2048 : i32
    %dma_start3A_61 = tpu.memref_slice %arg5[%dma_start3A_60] : memref<25600xi32, #tpu.memory_space<vmem>> -> memref<512xi32, #tpu.memory_space<vmem>>
    %dma_start3A_62 = arith.constant 0 : i32
    %dma_start3A_63 = arith.constant 0 : i32
    %dma_start3A_64 = tpu.memref_slice %arg3[%dma_start3A_62, %dma_start3A_63] : memref<1000000x32xf32, #tpu.memory_space<hbm>> -> memref<1000000x32xf32, #tpu.memory_space<hbm>>
    %dma_start3A_65 = tpu.memref_slice %arg7[%dma_start3A_55] : memref<5x!tpu.dma_semaphore, #tpu.memory_space<semaphore_mem>> -> memref<1x!tpu.dma_semaphore, #tpu.memory_space<semaphore_mem>>
    %dma_start3A_66 = tpu.memref_squeeze %dma_start3A_65 : memref<1x!tpu.dma_semaphore, #tpu.memory_space<semaphore_mem>> -> memref<!tpu.dma_semaphore, #tpu.memory_space<semaphore_mem>>
    tpu.enqueue_indirect_dma source(%dma_start3A_64 : memref<1000000x32xf32, #tpu.memory_space<hbm>>) target(%dma_start3A_59 : memref<512x32xf32, #tpu.memory_space<vmem>>) offsets(%dma_start3A_61 : memref<512xi32, #tpu.memory_space<vmem>>) semaphore(%dma_start3A_66 : memref<!tpu.dma_semaphore, #tpu.memory_space<semaphore_mem>>)
    %scan3A = arith.constant 0 : i32
    %scan3A_67 = arith.constant 10 : i32
    %scan3A_68 = arith.addi %scan3A, %scan3A_67 : i32
    %scan3A_69 = arith.constant 1 : i32
    scf.for %scan3A_71 = %scan3A to %scan3A_68 step %scan3A_69  : i32 {
      %mul3A_72 = arith.constant 5 : i32
      %mul3A_73 = arith.muli %scan3A_71, %mul3A_72 : i32
      %add3A_74 = arith.constant 0 : i32
      %add3A_75 = arith.addi %add3A_74, %mul3A_73 : i32
      %add3A_76 = arith.constant 0 : i32
      %add3A_77 = arith.addi %add3A_75, %add3A_76 : i32
      %mul3A_78 = arith.constant 512 : i32
      %mul3A_79 = arith.muli %add3A_77, %mul3A_78 : i32
      %dma_wait3A = arith.constant 0 : i32
      %dma_wait3A_80 = arith.constant 0 : i32
      %dma_wait3A_81 = arith.constant 0 : i32
      %dma_wait3A_82 = arith.constant 0 : i32
      %dma_wait3A_83 = tpu.memref_slice %arg6[%dma_wait3A, %dma_wait3A_81, %dma_wait3A_82] : memref<5x512x32xf32, #tpu.memory_space<vmem>> -> memref<1x512x32xf32, #tpu.memory_space<vmem>>
      %dma_wait3A_84 = tpu.memref_squeeze %dma_wait3A_83 : memref<1x512x32xf32, #tpu.memory_space<vmem>> -> memref<512x32xf32, #tpu.memory_space<vmem>>
      %dma_wait3A_85 = tpu.memref_slice %arg5[%mul3A_79] : memref<25600xi32, #tpu.memory_space<vmem>> -> memref<512xi32, #tpu.memory_space<vmem>>
      %dma_wait3A_86 = arith.constant 0 : i32
      %dma_wait3A_87 = arith.constant 0 : i32
      %dma_wait3A_88 = tpu.memref_slice %arg3[%dma_wait3A_86, %dma_wait3A_87] : memref<1000000x32xf32, #tpu.memory_space<hbm>> -> memref<1000000x32xf32, #tpu.memory_space<hbm>>
      %dma_wait3A_89 = tpu.memref_slice %arg7[%dma_wait3A_80] : memref<5x!tpu.dma_semaphore, #tpu.memory_space<semaphore_mem>> -> memref<1x!tpu.dma_semaphore, #tpu.memory_space<semaphore_mem>>
      %dma_wait3A_90 = tpu.memref_squeeze %dma_wait3A_89 : memref<1x!tpu.dma_semaphore, #tpu.memory_space<semaphore_mem>> -> memref<!tpu.dma_semaphore, #tpu.memory_space<semaphore_mem>>
      tpu.wait_indirect_dma semaphore(%dma_wait3A_90 : memref<!tpu.dma_semaphore, #tpu.memory_space<semaphore_mem>>) src(%dma_wait3A_88 : memref<1000000x32xf32, #tpu.memory_space<hbm>>) dst(%dma_wait3A_84 : memref<512x32xf32, #tpu.memory_space<vmem>>)
      %add3A_91 = arith.constant 0 : i32
      %add3A_92 = arith.addi %add3A_75, %add3A_91 : i32
      %mul3A_93 = arith.constant 512 : i32
      %mul3A_94 = arith.muli %add3A_92, %mul3A_93 : i32
      %add3A_95 = arith.addi %mul3A_2, %mul3A_94 : i32
      %dma_start3A_96 = arith.constant 0 : i32
      %dma_start3A_97 = arith.constant 0 : i32
      %dma_start3A_98 = arith.constant 0 : i32
      %dma_start3A_99 = arith.constant 0 : i32
      %dma_start3A_100 = tpu.memref_slice %arg6[%dma_start3A_96, %dma_start3A_98, %dma_start3A_99] : memref<5x512x32xf32, #tpu.memory_space<vmem>> -> memref<1x512x32xf32, #tpu.memory_space<vmem>>
      %dma_start3A_101 = tpu.memref_squeeze %dma_start3A_100 : memref<1x512x32xf32, #tpu.memory_space<vmem>> -> memref<512x32xf32, #tpu.memory_space<vmem>>
      %dma_start3A_102 = arith.constant 0 : i32
      %dma_start3A_103 = tpu.memref_slice %arg4[%add3A_95, %dma_start3A_102] : memref<819200x32xf32, #tpu.memory_space<hbm>> -> memref<512x32xf32, #tpu.memory_space<hbm>>
      %dma_start3A_104 = tpu.memref_slice %arg8[%dma_start3A_97] : memref<5x!tpu.dma_semaphore, #tpu.memory_space<semaphore_mem>> -> memref<1x!tpu.dma_semaphore, #tpu.memory_space<semaphore_mem>>
      %dma_start3A_105 = tpu.memref_squeeze %dma_start3A_104 : memref<1x!tpu.dma_semaphore, #tpu.memory_space<semaphore_mem>> -> memref<!tpu.dma_semaphore, #tpu.memory_space<semaphore_mem>>
      %dma_start3A_106 = arith.constant 0 : i32
      %dma_start3A_107 = tpu.memref_slice %arg4[%add3A_95, %dma_start3A_106] : memref<819200x32xf32, #tpu.memory_space<hbm>> -> memref<512x32xf32, #tpu.memory_space<hbm>>
      %dma_start3A_108 = arith.constant 0 : i32
      %dma_start3A_109 = arith.constant 0 : i32
      %dma_start3A_110 = tpu.memref_slice %arg6[%dma_start3A_96, %dma_start3A_108, %dma_start3A_109] : memref<5x512x32xf32, #tpu.memory_space<vmem>> -> memref<1x512x32xf32, #tpu.memory_space<vmem>>
      %dma_start3A_111 = tpu.memref_squeeze %dma_start3A_110 : memref<1x512x32xf32, #tpu.memory_space<vmem>> -> memref<512x32xf32, #tpu.memory_space<vmem>>
      tpu.enqueue_dma source(%dma_start3A_111 : memref<512x32xf32, #tpu.memory_space<vmem>>) target(%dma_start3A_107 : memref<512x32xf32, #tpu.memory_space<hbm>>) target_semaphore(%dma_start3A_105 : memref<!tpu.dma_semaphore, #tpu.memory_space<semaphore_mem>>)
      %add3A_112 = arith.constant 1 : i32
      %add3A_113 = arith.addi %add3A_75, %add3A_112 : i32
      %mul3A_114 = arith.constant 512 : i32
      %mul3A_115 = arith.muli %add3A_113, %mul3A_114 : i32
      %dma_wait3A_116 = arith.constant 1 : i32
      %dma_wait3A_117 = arith.constant 1 : i32
      %dma_wait3A_118 = arith.constant 0 : i32
      %dma_wait3A_119 = arith.constant 0 : i32
      %dma_wait3A_120 = tpu.memref_slice %arg6[%dma_wait3A_116, %dma_wait3A_118, %dma_wait3A_119] : memref<5x512x32xf32, #tpu.memory_space<vmem>> -> memref<1x512x32xf32, #tpu.memory_space<vmem>>
      %dma_wait3A_121 = tpu.memref_squeeze %dma_wait3A_120 : memref<1x512x32xf32, #tpu.memory_space<vmem>> -> memref<512x32xf32, #tpu.memory_space<vmem>>
      %dma_wait3A_122 = tpu.memref_slice %arg5[%mul3A_115] : memref<25600xi32, #tpu.memory_space<vmem>> -> memref<512xi32, #tpu.memory_space<vmem>>
      %dma_wait3A_123 = arith.constant 0 : i32
      %dma_wait3A_124 = arith.constant 0 : i32
      %dma_wait3A_125 = tpu.memref_slice %arg3[%dma_wait3A_123, %dma_wait3A_124] : memref<1000000x32xf32, #tpu.memory_space<hbm>> -> memref<1000000x32xf32, #tpu.memory_space<hbm>>
      %dma_wait3A_126 = tpu.memref_slice %arg7[%dma_wait3A_117] : memref<5x!tpu.dma_semaphore, #tpu.memory_space<semaphore_mem>> -> memref<1x!tpu.dma_semaphore, #tpu.memory_space<semaphore_mem>>
      %dma_wait3A_127 = tpu.memref_squeeze %dma_wait3A_126 : memref<1x!tpu.dma_semaphore, #tpu.memory_space<semaphore_mem>> -> memref<!tpu.dma_semaphore, #tpu.memory_space<semaphore_mem>>
      tpu.wait_indirect_dma semaphore(%dma_wait3A_127 : memref<!tpu.dma_semaphore, #tpu.memory_space<semaphore_mem>>) src(%dma_wait3A_125 : memref<1000000x32xf32, #tpu.memory_space<hbm>>) dst(%dma_wait3A_121 : memref<512x32xf32, #tpu.memory_space<vmem>>)
      %add3A_128 = arith.constant 1 : i32
      %add3A_129 = arith.addi %add3A_75, %add3A_128 : i32
      %mul3A_130 = arith.constant 512 : i32
      %mul3A_131 = arith.muli %add3A_129, %mul3A_130 : i32
      %add3A_132 = arith.addi %mul3A_2, %mul3A_131 : i32
      %dma_start3A_133 = arith.constant 1 : i32
      %dma_start3A_134 = arith.constant 1 : i32
      %dma_start3A_135 = arith.constant 0 : i32
      %dma_start3A_136 = arith.constant 0 : i32
      %dma_start3A_137 = tpu.memref_slice %arg6[%dma_start3A_133, %dma_start3A_135, %dma_start3A_136] : memref<5x512x32xf32, #tpu.memory_space<vmem>> -> memref<1x512x32xf32, #tpu.memory_space<vmem>>
      %dma_start3A_138 = tpu.memref_squeeze %dma_start3A_137 : memref<1x512x32xf32, #tpu.memory_space<vmem>> -> memref<512x32xf32, #tpu.memory_space<vmem>>
      %dma_start3A_139 = arith.constant 0 : i32
      %dma_start3A_140 = tpu.memref_slice %arg4[%add3A_132, %dma_start3A_139] : memref<819200x32xf32, #tpu.memory_space<hbm>> -> memref<512x32xf32, #tpu.memory_space<hbm>>
      %dma_start3A_141 = tpu.memref_slice %arg8[%dma_start3A_134] : memref<5x!tpu.dma_semaphore, #tpu.memory_space<semaphore_mem>> -> memref<1x!tpu.dma_semaphore, #tpu.memory_space<semaphore_mem>>
      %dma_start3A_142 = tpu.memref_squeeze %dma_start3A_141 : memref<1x!tpu.dma_semaphore, #tpu.memory_space<semaphore_mem>> -> memref<!tpu.dma_semaphore, #tpu.memory_space<semaphore_mem>>
      %dma_start3A_143 = arith.constant 0 : i32
      %dma_start3A_144 = tpu.memref_slice %arg4[%add3A_132, %dma_start3A_143] : memref<819200x32xf32, #tpu.memory_space<hbm>> -> memref<512x32xf32, #tpu.memory_space<hbm>>
      %dma_start3A_145 = arith.constant 0 : i32
      %dma_start3A_146 = arith.constant 0 : i32
      %dma_start3A_147 = tpu.memref_slice %arg6[%dma_start3A_133, %dma_start3A_145, %dma_start3A_146] : memref<5x512x32xf32, #tpu.memory_space<vmem>> -> memref<1x512x32xf32, #tpu.memory_space<vmem>>
      %dma_start3A_148 = tpu.memref_squeeze %dma_start3A_147 : memref<1x512x32xf32, #tpu.memory_space<vmem>> -> memref<512x32xf32, #tpu.memory_space<vmem>>
      tpu.enqueue_dma source(%dma_start3A_148 : memref<512x32xf32, #tpu.memory_space<vmem>>) target(%dma_start3A_144 : memref<512x32xf32, #tpu.memory_space<hbm>>) target_semaphore(%dma_start3A_142 : memref<!tpu.dma_semaphore, #tpu.memory_space<semaphore_mem>>)
      %add3A_149 = arith.constant 2 : i32
      %add3A_150 = arith.addi %add3A_75, %add3A_149 : i32
      %mul3A_151 = arith.constant 512 : i32
      %mul3A_152 = arith.muli %add3A_150, %mul3A_151 : i32
      %dma_wait3A_153 = arith.constant 2 : i32
      %dma_wait3A_154 = arith.constant 2 : i32
      %dma_wait3A_155 = arith.constant 0 : i32
      %dma_wait3A_156 = arith.constant 0 : i32
      %dma_wait3A_157 = tpu.memref_slice %arg6[%dma_wait3A_153, %dma_wait3A_155, %dma_wait3A_156] : memref<5x512x32xf32, #tpu.memory_space<vmem>> -> memref<1x512x32xf32, #tpu.memory_space<vmem>>
      %dma_wait3A_158 = tpu.memref_squeeze %dma_wait3A_157 : memref<1x512x32xf32, #tpu.memory_space<vmem>> -> memref<512x32xf32, #tpu.memory_space<vmem>>
      %dma_wait3A_159 = tpu.memref_slice %arg5[%mul3A_152] : memref<25600xi32, #tpu.memory_space<vmem>> -> memref<512xi32, #tpu.memory_space<vmem>>
      %dma_wait3A_160 = arith.constant 0 : i32
      %dma_wait3A_161 = arith.constant 0 : i32
      %dma_wait3A_162 = tpu.memref_slice %arg3[%dma_wait3A_160, %dma_wait3A_161] : memref<1000000x32xf32, #tpu.memory_space<hbm>> -> memref<1000000x32xf32, #tpu.memory_space<hbm>>
      %dma_wait3A_163 = tpu.memref_slice %arg7[%dma_wait3A_154] : memref<5x!tpu.dma_semaphore, #tpu.memory_space<semaphore_mem>> -> memref<1x!tpu.dma_semaphore, #tpu.memory_space<semaphore_mem>>
      %dma_wait3A_164 = tpu.memref_squeeze %dma_wait3A_163 : memref<1x!tpu.dma_semaphore, #tpu.memory_space<semaphore_mem>> -> memref<!tpu.dma_semaphore, #tpu.memory_space<semaphore_mem>>
      tpu.wait_indirect_dma semaphore(%dma_wait3A_164 : memref<!tpu.dma_semaphore, #tpu.memory_space<semaphore_mem>>) src(%dma_wait3A_162 : memref<1000000x32xf32, #tpu.memory_space<hbm>>) dst(%dma_wait3A_158 : memref<512x32xf32, #tpu.memory_space<vmem>>)
      %add3A_165 = arith.constant 2 : i32
      %add3A_166 = arith.addi %add3A_75, %add3A_165 : i32
      %mul3A_167 = arith.constant 512 : i32
      %mul3A_168 = arith.muli %add3A_166, %mul3A_167 : i32
      %add3A_169 = arith.addi %mul3A_2, %mul3A_168 : i32
      %dma_start3A_170 = arith.constant 2 : i32
      %dma_start3A_171 = arith.constant 2 : i32
      %dma_start3A_172 = arith.constant 0 : i32
      %dma_start3A_173 = arith.constant 0 : i32
      %dma_start3A_174 = tpu.memref_slice %arg6[%dma_start3A_170, %dma_start3A_172, %dma_start3A_173] : memref<5x512x32xf32, #tpu.memory_space<vmem>> -> memref<1x512x32xf32, #tpu.memory_space<vmem>>
      %dma_start3A_175 = tpu.memref_squeeze %dma_start3A_174 : memref<1x512x32xf32, #tpu.memory_space<vmem>> -> memref<512x32xf32, #tpu.memory_space<vmem>>
      %dma_start3A_176 = arith.constant 0 : i32
      %dma_start3A_177 = tpu.memref_slice %arg4[%add3A_169, %dma_start3A_176] : memref<819200x32xf32, #tpu.memory_space<hbm>> -> memref<512x32xf32, #tpu.memory_space<hbm>>
      %dma_start3A_178 = tpu.memref_slice %arg8[%dma_start3A_171] : memref<5x!tpu.dma_semaphore, #tpu.memory_space<semaphore_mem>> -> memref<1x!tpu.dma_semaphore, #tpu.memory_space<semaphore_mem>>
      %dma_start3A_179 = tpu.memref_squeeze %dma_start3A_178 : memref<1x!tpu.dma_semaphore, #tpu.memory_space<semaphore_mem>> -> memref<!tpu.dma_semaphore, #tpu.memory_space<semaphore_mem>>
      %dma_start3A_180 = arith.constant 0 : i32
      %dma_start3A_181 = tpu.memref_slice %arg4[%add3A_169, %dma_start3A_180] : memref<819200x32xf32, #tpu.memory_space<hbm>> -> memref<512x32xf32, #tpu.memory_space<hbm>>
      %dma_start3A_182 = arith.constant 0 : i32
      %dma_start3A_183 = arith.constant 0 : i32
      %dma_start3A_184 = tpu.memref_slice %arg6[%dma_start3A_170, %dma_start3A_182, %dma_start3A_183] : memref<5x512x32xf32, #tpu.memory_space<vmem>> -> memref<1x512x32xf32, #tpu.memory_space<vmem>>
      %dma_start3A_185 = tpu.memref_squeeze %dma_start3A_184 : memref<1x512x32xf32, #tpu.memory_space<vmem>> -> memref<512x32xf32, #tpu.memory_space<vmem>>
      tpu.enqueue_dma source(%dma_start3A_185 : memref<512x32xf32, #tpu.memory_space<vmem>>) target(%dma_start3A_181 : memref<512x32xf32, #tpu.memory_space<hbm>>) target_semaphore(%dma_start3A_179 : memref<!tpu.dma_semaphore, #tpu.memory_space<semaphore_mem>>)
      %add3A_186 = arith.constant 3 : i32
      %add3A_187 = arith.addi %add3A_75, %add3A_186 : i32
      %mul3A_188 = arith.constant 512 : i32
      %mul3A_189 = arith.muli %add3A_187, %mul3A_188 : i32
      %dma_wait3A_190 = arith.constant 3 : i32
      %dma_wait3A_191 = arith.constant 3 : i32
      %dma_wait3A_192 = arith.constant 0 : i32
      %dma_wait3A_193 = arith.constant 0 : i32
      %dma_wait3A_194 = tpu.memref_slice %arg6[%dma_wait3A_190, %dma_wait3A_192, %dma_wait3A_193] : memref<5x512x32xf32, #tpu.memory_space<vmem>> -> memref<1x512x32xf32, #tpu.memory_space<vmem>>
      %dma_wait3A_195 = tpu.memref_squeeze %dma_wait3A_194 : memref<1x512x32xf32, #tpu.memory_space<vmem>> -> memref<512x32xf32, #tpu.memory_space<vmem>>
      %dma_wait3A_196 = tpu.memref_slice %arg5[%mul3A_189] : memref<25600xi32, #tpu.memory_space<vmem>> -> memref<512xi32, #tpu.memory_space<vmem>>
      %dma_wait3A_197 = arith.constant 0 : i32
      %dma_wait3A_198 = arith.constant 0 : i32
      %dma_wait3A_199 = tpu.memref_slice %arg3[%dma_wait3A_197, %dma_wait3A_198] : memref<1000000x32xf32, #tpu.memory_space<hbm>> -> memref<1000000x32xf32, #tpu.memory_space<hbm>>
      %dma_wait3A_200 = tpu.memref_slice %arg7[%dma_wait3A_191] : memref<5x!tpu.dma_semaphore, #tpu.memory_space<semaphore_mem>> -> memref<1x!tpu.dma_semaphore, #tpu.memory_space<semaphore_mem>>
      %dma_wait3A_201 = tpu.memref_squeeze %dma_wait3A_200 : memref<1x!tpu.dma_semaphore, #tpu.memory_space<semaphore_mem>> -> memref<!tpu.dma_semaphore, #tpu.memory_space<semaphore_mem>>
      tpu.wait_indirect_dma semaphore(%dma_wait3A_201 : memref<!tpu.dma_semaphore, #tpu.memory_space<semaphore_mem>>) src(%dma_wait3A_199 : memref<1000000x32xf32, #tpu.memory_space<hbm>>) dst(%dma_wait3A_195 : memref<512x32xf32, #tpu.memory_space<vmem>>)
      %add3A_202 = arith.constant 3 : i32
      %add3A_203 = arith.addi %add3A_75, %add3A_202 : i32
      %mul3A_204 = arith.constant 512 : i32
      %mul3A_205 = arith.muli %add3A_203, %mul3A_204 : i32
      %add3A_206 = arith.addi %mul3A_2, %mul3A_205 : i32
      %dma_start3A_207 = arith.constant 3 : i32
      %dma_start3A_208 = arith.constant 3 : i32
      %dma_start3A_209 = arith.constant 0 : i32
      %dma_start3A_210 = arith.constant 0 : i32
      %dma_start3A_211 = tpu.memref_slice %arg6[%dma_start3A_207, %dma_start3A_209, %dma_start3A_210] : memref<5x512x32xf32, #tpu.memory_space<vmem>> -> memref<1x512x32xf32, #tpu.memory_space<vmem>>
      %dma_start3A_212 = tpu.memref_squeeze %dma_start3A_211 : memref<1x512x32xf32, #tpu.memory_space<vmem>> -> memref<512x32xf32, #tpu.memory_space<vmem>>
      %dma_start3A_213 = arith.constant 0 : i32
      %dma_start3A_214 = tpu.memref_slice %arg4[%add3A_206, %dma_start3A_213] : memref<819200x32xf32, #tpu.memory_space<hbm>> -> memref<512x32xf32, #tpu.memory_space<hbm>>
      %dma_start3A_215 = tpu.memref_slice %arg8[%dma_start3A_208] : memref<5x!tpu.dma_semaphore, #tpu.memory_space<semaphore_mem>> -> memref<1x!tpu.dma_semaphore, #tpu.memory_space<semaphore_mem>>
      %dma_start3A_216 = tpu.memref_squeeze %dma_start3A_215 : memref<1x!tpu.dma_semaphore, #tpu.memory_space<semaphore_mem>> -> memref<!tpu.dma_semaphore, #tpu.memory_space<semaphore_mem>>
      %dma_start3A_217 = arith.constant 0 : i32
      %dma_start3A_218 = tpu.memref_slice %arg4[%add3A_206, %dma_start3A_217] : memref<819200x32xf32, #tpu.memory_space<hbm>> -> memref<512x32xf32, #tpu.memory_space<hbm>>
      %dma_start3A_219 = arith.constant 0 : i32
      %dma_start3A_220 = arith.constant 0 : i32
      %dma_start3A_221 = tpu.memref_slice %arg6[%dma_start3A_207, %dma_start3A_219, %dma_start3A_220] : memref<5x512x32xf32, #tpu.memory_space<vmem>> -> memref<1x512x32xf32, #tpu.memory_space<vmem>>
      %dma_start3A_222 = tpu.memref_squeeze %dma_start3A_221 : memref<1x512x32xf32, #tpu.memory_space<vmem>> -> memref<512x32xf32, #tpu.memory_space<vmem>>
      tpu.enqueue_dma source(%dma_start3A_222 : memref<512x32xf32, #tpu.memory_space<vmem>>) target(%dma_start3A_218 : memref<512x32xf32, #tpu.memory_space<hbm>>) target_semaphore(%dma_start3A_216 : memref<!tpu.dma_semaphore, #tpu.memory_space<semaphore_mem>>)
      %add3A_223 = arith.constant 4 : i32
      %add3A_224 = arith.addi %add3A_75, %add3A_223 : i32
      %mul3A_225 = arith.constant 512 : i32
      %mul3A_226 = arith.muli %add3A_224, %mul3A_225 : i32
      %dma_wait3A_227 = arith.constant 4 : i32
      %dma_wait3A_228 = arith.constant 4 : i32
      %dma_wait3A_229 = arith.constant 0 : i32
      %dma_wait3A_230 = arith.constant 0 : i32
      %dma_wait3A_231 = tpu.memref_slice %arg6[%dma_wait3A_227, %dma_wait3A_229, %dma_wait3A_230] : memref<5x512x32xf32, #tpu.memory_space<vmem>> -> memref<1x512x32xf32, #tpu.memory_space<vmem>>
      %dma_wait3A_232 = tpu.memref_squeeze %dma_wait3A_231 : memref<1x512x32xf32, #tpu.memory_space<vmem>> -> memref<512x32xf32, #tpu.memory_space<vmem>>
      %dma_wait3A_233 = tpu.memref_slice %arg5[%mul3A_226] : memref<25600xi32, #tpu.memory_space<vmem>> -> memref<512xi32, #tpu.memory_space<vmem>>
      %dma_wait3A_234 = arith.constant 0 : i32
      %dma_wait3A_235 = arith.constant 0 : i32
      %dma_wait3A_236 = tpu.memref_slice %arg3[%dma_wait3A_234, %dma_wait3A_235] : memref<1000000x32xf32, #tpu.memory_space<hbm>> -> memref<1000000x32xf32, #tpu.memory_space<hbm>>
      %dma_wait3A_237 = tpu.memref_slice %arg7[%dma_wait3A_228] : memref<5x!tpu.dma_semaphore, #tpu.memory_space<semaphore_mem>> -> memref<1x!tpu.dma_semaphore, #tpu.memory_space<semaphore_mem>>
      %dma_wait3A_238 = tpu.memref_squeeze %dma_wait3A_237 : memref<1x!tpu.dma_semaphore, #tpu.memory_space<semaphore_mem>> -> memref<!tpu.dma_semaphore, #tpu.memory_space<semaphore_mem>>
      tpu.wait_indirect_dma semaphore(%dma_wait3A_238 : memref<!tpu.dma_semaphore, #tpu.memory_space<semaphore_mem>>) src(%dma_wait3A_236 : memref<1000000x32xf32, #tpu.memory_space<hbm>>) dst(%dma_wait3A_232 : memref<512x32xf32, #tpu.memory_space<vmem>>)
      %add3A_239 = arith.constant 4 : i32
      %add3A_240 = arith.addi %add3A_75, %add3A_239 : i32
      %mul3A_241 = arith.constant 512 : i32
      %mul3A_242 = arith.muli %add3A_240, %mul3A_241 : i32
      %add3A_243 = arith.addi %mul3A_2, %mul3A_242 : i32
      %dma_start3A_244 = arith.constant 4 : i32
      %dma_start3A_245 = arith.constant 4 : i32
      %dma_start3A_246 = arith.constant 0 : i32
      %dma_start3A_247 = arith.constant 0 : i32
      %dma_start3A_248 = tpu.memref_slice %arg6[%dma_start3A_244, %dma_start3A_246, %dma_start3A_247] : memref<5x512x32xf32, #tpu.memory_space<vmem>> -> memref<1x512x32xf32, #tpu.memory_space<vmem>>
      %dma_start3A_249 = tpu.memref_squeeze %dma_start3A_248 : memref<1x512x32xf32, #tpu.memory_space<vmem>> -> memref<512x32xf32, #tpu.memory_space<vmem>>
      %dma_start3A_250 = arith.constant 0 : i32
      %dma_start3A_251 = tpu.memref_slice %arg4[%add3A_243, %dma_start3A_250] : memref<819200x32xf32, #tpu.memory_space<hbm>> -> memref<512x32xf32, #tpu.memory_space<hbm>>
      %dma_start3A_252 = tpu.memref_slice %arg8[%dma_start3A_245] : memref<5x!tpu.dma_semaphore, #tpu.memory_space<semaphore_mem>> -> memref<1x!tpu.dma_semaphore, #tpu.memory_space<semaphore_mem>>
      %dma_start3A_253 = tpu.memref_squeeze %dma_start3A_252 : memref<1x!tpu.dma_semaphore, #tpu.memory_space<semaphore_mem>> -> memref<!tpu.dma_semaphore, #tpu.memory_space<semaphore_mem>>
      %dma_start3A_254 = arith.constant 0 : i32
      %dma_start3A_255 = tpu.memref_slice %arg4[%add3A_243, %dma_start3A_254] : memref<819200x32xf32, #tpu.memory_space<hbm>> -> memref<512x32xf32, #tpu.memory_space<hbm>>
      %dma_start3A_256 = arith.constant 0 : i32
      %dma_start3A_257 = arith.constant 0 : i32
      %dma_start3A_258 = tpu.memref_slice %arg6[%dma_start3A_244, %dma_start3A_256, %dma_start3A_257] : memref<5x512x32xf32, #tpu.memory_space<vmem>> -> memref<1x512x32xf32, #tpu.memory_space<vmem>>
      %dma_start3A_259 = tpu.memref_squeeze %dma_start3A_258 : memref<1x512x32xf32, #tpu.memory_space<vmem>> -> memref<512x32xf32, #tpu.memory_space<vmem>>
      tpu.enqueue_dma source(%dma_start3A_259 : memref<512x32xf32, #tpu.memory_space<vmem>>) target(%dma_start3A_255 : memref<512x32xf32, #tpu.memory_space<hbm>>) target_semaphore(%dma_start3A_253 : memref<!tpu.dma_semaphore, #tpu.memory_space<semaphore_mem>>)
      %add3A_260 = arith.constant 0 : i32
      %add3A_261 = arith.addi %add3A_75, %add3A_260 : i32
      %mul3A_262 = arith.constant 512 : i32
      %mul3A_263 = arith.muli %add3A_261, %mul3A_262 : i32
      %add3A_264 = arith.addi %mul3A_2, %mul3A_263 : i32
      %dma_wait3A_265 = arith.constant 0 : i32
      %dma_wait3A_266 = arith.constant 0 : i32
      %dma_wait3A_267 = arith.constant 0 : i32
      %dma_wait3A_268 = arith.constant 0 : i32
      %dma_wait3A_269 = tpu.memref_slice %arg6[%dma_wait3A_265, %dma_wait3A_267, %dma_wait3A_268] : memref<5x512x32xf32, #tpu.memory_space<vmem>> -> memref<1x512x32xf32, #tpu.memory_space<vmem>>
      %dma_wait3A_270 = tpu.memref_squeeze %dma_wait3A_269 : memref<1x512x32xf32, #tpu.memory_space<vmem>> -> memref<512x32xf32, #tpu.memory_space<vmem>>
      %dma_wait3A_271 = arith.constant 0 : i32
      %dma_wait3A_272 = tpu.memref_slice %arg4[%add3A_264, %dma_wait3A_271] : memref<819200x32xf32, #tpu.memory_space<hbm>> -> memref<512x32xf32, #tpu.memory_space<hbm>>
      %dma_wait3A_273 = tpu.memref_slice %arg8[%dma_wait3A_266] : memref<5x!tpu.dma_semaphore, #tpu.memory_space<semaphore_mem>> -> memref<1x!tpu.dma_semaphore, #tpu.memory_space<semaphore_mem>>
      %dma_wait3A_274 = tpu.memref_squeeze %dma_wait3A_273 : memref<1x!tpu.dma_semaphore, #tpu.memory_space<semaphore_mem>> -> memref<!tpu.dma_semaphore, #tpu.memory_space<semaphore_mem>>
      %dma_wait3A_275 = arith.constant 0 : i32
      %dma_wait3A_276 = tpu.memref_slice %arg4[%add3A_264, %dma_wait3A_275] : memref<819200x32xf32, #tpu.memory_space<hbm>> -> memref<512x32xf32, #tpu.memory_space<hbm>>
      %dma_wait3A_277 = arith.constant 0 : i32
      %dma_wait3A_278 = arith.constant 0 : i32
      %dma_wait3A_279 = tpu.memref_slice %arg6[%dma_wait3A_265, %dma_wait3A_277, %dma_wait3A_278] : memref<5x512x32xf32, #tpu.memory_space<vmem>> -> memref<1x512x32xf32, #tpu.memory_space<vmem>>
      %dma_wait3A_280 = tpu.memref_squeeze %dma_wait3A_279 : memref<1x512x32xf32, #tpu.memory_space<vmem>> -> memref<512x32xf32, #tpu.memory_space<vmem>>
      tpu.wait_dma2 semaphore(%dma_wait3A_274 : memref<!tpu.dma_semaphore, #tpu.memory_space<semaphore_mem>>) src(%dma_wait3A_280 : memref<512x32xf32, #tpu.memory_space<vmem>>) dst(%dma_wait3A_276 : memref<512x32xf32, #tpu.memory_space<hbm>>)
      %add3A_281 = arith.constant 0 : i32
      %add3A_282 = arith.addi %add3A_75, %add3A_281 : i32
      %add3A_283 = arith.constant 5 : i32
      %add3A_284 = arith.addi %add3A_282, %add3A_283 : i32
      %lt3A = arith.constant 50 : i32
      %lt3A_285 = arith.cmpi slt, %add3A_284, %lt3A : i32
      %convert_element_type3A = arith.extui %lt3A_285 : i1 to i32
      %cond3A = arith.constant 0 : i32
      %cond3A_286 = arith.cmpi ne, %convert_element_type3A, %cond3A : i32
      scf.if %cond3A_286 {
        %add3A_407 = arith.constant 0 : i32
        %add3A_408 = arith.addi %add3A_75, %add3A_407 : i32
        %add3A_409 = arith.constant 5 : i32
        %add3A_410 = arith.addi %add3A_408, %add3A_409 : i32
        %mul3A_411 = arith.constant 512 : i32
        %mul3A_412 = arith.muli %add3A_410, %mul3A_411 : i32
        %dma_start3A_413 = arith.constant 0 : i32
        %dma_start3A_414 = arith.constant 0 : i32
        %dma_start3A_415 = arith.constant 0 : i32
        %dma_start3A_416 = arith.constant 0 : i32
        %dma_start3A_417 = tpu.memref_slice %arg6[%dma_start3A_413, %dma_start3A_415, %dma_start3A_416] : memref<5x512x32xf32, #tpu.memory_space<vmem>> -> memref<1x512x32xf32, #tpu.memory_space<vmem>>
        %dma_start3A_418 = tpu.memref_squeeze %dma_start3A_417 : memref<1x512x32xf32, #tpu.memory_space<vmem>> -> memref<512x32xf32, #tpu.memory_space<vmem>>
        %dma_start3A_419 = tpu.memref_slice %arg5[%mul3A_412] : memref<25600xi32, #tpu.memory_space<vmem>> -> memref<512xi32, #tpu.memory_space<vmem>>
        %dma_start3A_420 = arith.constant 0 : i32
        %dma_start3A_421 = arith.constant 0 : i32
        %dma_start3A_422 = tpu.memref_slice %arg3[%dma_start3A_420, %dma_start3A_421] : memref<1000000x32xf32, #tpu.memory_space<hbm>> -> memref<1000000x32xf32, #tpu.memory_space<hbm>>
        %dma_start3A_423 = tpu.memref_slice %arg7[%dma_start3A_414] : memref<5x!tpu.dma_semaphore, #tpu.memory_space<semaphore_mem>> -> memref<1x!tpu.dma_semaphore, #tpu.memory_space<semaphore_mem>>
        %dma_start3A_424 = tpu.memref_squeeze %dma_start3A_423 : memref<1x!tpu.dma_semaphore, #tpu.memory_space<semaphore_mem>> -> memref<!tpu.dma_semaphore, #tpu.memory_space<semaphore_mem>>
        tpu.enqueue_indirect_dma source(%dma_start3A_422 : memref<1000000x32xf32, #tpu.memory_space<hbm>>) target(%dma_start3A_418 : memref<512x32xf32, #tpu.memory_space<vmem>>) offsets(%dma_start3A_419 : memref<512xi32, #tpu.memory_space<vmem>>) semaphore(%dma_start3A_424 : memref<!tpu.dma_semaphore, #tpu.memory_space<semaphore_mem>>)
      } else {
      }
      %add3A_287 = arith.constant 1 : i32
      %add3A_288 = arith.addi %add3A_75, %add3A_287 : i32
      %mul3A_289 = arith.constant 512 : i32
      %mul3A_290 = arith.muli %add3A_288, %mul3A_289 : i32
      %add3A_291 = arith.addi %mul3A_2, %mul3A_290 : i32
      %dma_wait3A_292 = arith.constant 1 : i32
      %dma_wait3A_293 = arith.constant 1 : i32
      %dma_wait3A_294 = arith.constant 0 : i32
      %dma_wait3A_295 = arith.constant 0 : i32
      %dma_wait3A_296 = tpu.memref_slice %arg6[%dma_wait3A_292, %dma_wait3A_294, %dma_wait3A_295] : memref<5x512x32xf32, #tpu.memory_space<vmem>> -> memref<1x512x32xf32, #tpu.memory_space<vmem>>
      %dma_wait3A_297 = tpu.memref_squeeze %dma_wait3A_296 : memref<1x512x32xf32, #tpu.memory_space<vmem>> -> memref<512x32xf32, #tpu.memory_space<vmem>>
      %dma_wait3A_298 = arith.constant 0 : i32
      %dma_wait3A_299 = tpu.memref_slice %arg4[%add3A_291, %dma_wait3A_298] : memref<819200x32xf32, #tpu.memory_space<hbm>> -> memref<512x32xf32, #tpu.memory_space<hbm>>
      %dma_wait3A_300 = tpu.memref_slice %arg8[%dma_wait3A_293] : memref<5x!tpu.dma_semaphore, #tpu.memory_space<semaphore_mem>> -> memref<1x!tpu.dma_semaphore, #tpu.memory_space<semaphore_mem>>
      %dma_wait3A_301 = tpu.memref_squeeze %dma_wait3A_300 : memref<1x!tpu.dma_semaphore, #tpu.memory_space<semaphore_mem>> -> memref<!tpu.dma_semaphore, #tpu.memory_space<semaphore_mem>>
      %dma_wait3A_302 = arith.constant 0 : i32
      %dma_wait3A_303 = tpu.memref_slice %arg4[%add3A_291, %dma_wait3A_302] : memref<819200x32xf32, #tpu.memory_space<hbm>> -> memref<512x32xf32, #tpu.memory_space<hbm>>
      %dma_wait3A_304 = arith.constant 0 : i32
      %dma_wait3A_305 = arith.constant 0 : i32
      %dma_wait3A_306 = tpu.memref_slice %arg6[%dma_wait3A_292, %dma_wait3A_304, %dma_wait3A_305] : memref<5x512x32xf32, #tpu.memory_space<vmem>> -> memref<1x512x32xf32, #tpu.memory_space<vmem>>
      %dma_wait3A_307 = tpu.memref_squeeze %dma_wait3A_306 : memref<1x512x32xf32, #tpu.memory_space<vmem>> -> memref<512x32xf32, #tpu.memory_space<vmem>>
      tpu.wait_dma2 semaphore(%dma_wait3A_301 : memref<!tpu.dma_semaphore, #tpu.memory_space<semaphore_mem>>) src(%dma_wait3A_307 : memref<512x32xf32, #tpu.memory_space<vmem>>) dst(%dma_wait3A_303 : memref<512x32xf32, #tpu.memory_space<hbm>>)
      %add3A_308 = arith.constant 1 : i32
      %add3A_309 = arith.addi %add3A_75, %add3A_308 : i32
      %add3A_310 = arith.constant 5 : i32
      %add3A_311 = arith.addi %add3A_309, %add3A_310 : i32
      %lt3A_312 = arith.constant 50 : i32
      %lt3A_313 = arith.cmpi slt, %add3A_311, %lt3A_312 : i32
      %convert_element_type3A_314 = arith.extui %lt3A_313 : i1 to i32
      %cond3A_315 = arith.constant 0 : i32
      %cond3A_316 = arith.cmpi ne, %convert_element_type3A_314, %cond3A_315 : i32
      scf.if %cond3A_316 {
        %add3A_407 = arith.constant 1 : i32
        %add3A_408 = arith.addi %add3A_75, %add3A_407 : i32
        %add3A_409 = arith.constant 5 : i32
        %add3A_410 = arith.addi %add3A_408, %add3A_409 : i32
        %mul3A_411 = arith.constant 512 : i32
        %mul3A_412 = arith.muli %add3A_410, %mul3A_411 : i32
        %dma_start3A_413 = arith.constant 1 : i32
        %dma_start3A_414 = arith.constant 1 : i32
        %dma_start3A_415 = arith.constant 0 : i32
        %dma_start3A_416 = arith.constant 0 : i32
        %dma_start3A_417 = tpu.memref_slice %arg6[%dma_start3A_413, %dma_start3A_415, %dma_start3A_416] : memref<5x512x32xf32, #tpu.memory_space<vmem>> -> memref<1x512x32xf32, #tpu.memory_space<vmem>>
        %dma_start3A_418 = tpu.memref_squeeze %dma_start3A_417 : memref<1x512x32xf32, #tpu.memory_space<vmem>> -> memref<512x32xf32, #tpu.memory_space<vmem>>
        %dma_start3A_419 = tpu.memref_slice %arg5[%mul3A_412] : memref<25600xi32, #tpu.memory_space<vmem>> -> memref<512xi32, #tpu.memory_space<vmem>>
        %dma_start3A_420 = arith.constant 0 : i32
        %dma_start3A_421 = arith.constant 0 : i32
        %dma_start3A_422 = tpu.memref_slice %arg3[%dma_start3A_420, %dma_start3A_421] : memref<1000000x32xf32, #tpu.memory_space<hbm>> -> memref<1000000x32xf32, #tpu.memory_space<hbm>>
        %dma_start3A_423 = tpu.memref_slice %arg7[%dma_start3A_414] : memref<5x!tpu.dma_semaphore, #tpu.memory_space<semaphore_mem>> -> memref<1x!tpu.dma_semaphore, #tpu.memory_space<semaphore_mem>>
        %dma_start3A_424 = tpu.memref_squeeze %dma_start3A_423 : memref<1x!tpu.dma_semaphore, #tpu.memory_space<semaphore_mem>> -> memref<!tpu.dma_semaphore, #tpu.memory_space<semaphore_mem>>
        tpu.enqueue_indirect_dma source(%dma_start3A_422 : memref<1000000x32xf32, #tpu.memory_space<hbm>>) target(%dma_start3A_418 : memref<512x32xf32, #tpu.memory_space<vmem>>) offsets(%dma_start3A_419 : memref<512xi32, #tpu.memory_space<vmem>>) semaphore(%dma_start3A_424 : memref<!tpu.dma_semaphore, #tpu.memory_space<semaphore_mem>>)
      } else {
      }
      %add3A_317 = arith.constant 2 : i32
      %add3A_318 = arith.addi %add3A_75, %add3A_317 : i32
      %mul3A_319 = arith.constant 512 : i32
      %mul3A_320 = arith.muli %add3A_318, %mul3A_319 : i32
      %add3A_321 = arith.addi %mul3A_2, %mul3A_320 : i32
      %dma_wait3A_322 = arith.constant 2 : i32
      %dma_wait3A_323 = arith.constant 2 : i32
      %dma_wait3A_324 = arith.constant 0 : i32
      %dma_wait3A_325 = arith.constant 0 : i32
      %dma_wait3A_326 = tpu.memref_slice %arg6[%dma_wait3A_322, %dma_wait3A_324, %dma_wait3A_325] : memref<5x512x32xf32, #tpu.memory_space<vmem>> -> memref<1x512x32xf32, #tpu.memory_space<vmem>>
      %dma_wait3A_327 = tpu.memref_squeeze %dma_wait3A_326 : memref<1x512x32xf32, #tpu.memory_space<vmem>> -> memref<512x32xf32, #tpu.memory_space<vmem>>
      %dma_wait3A_328 = arith.constant 0 : i32
      %dma_wait3A_329 = tpu.memref_slice %arg4[%add3A_321, %dma_wait3A_328] : memref<819200x32xf32, #tpu.memory_space<hbm>> -> memref<512x32xf32, #tpu.memory_space<hbm>>
      %dma_wait3A_330 = tpu.memref_slice %arg8[%dma_wait3A_323] : memref<5x!tpu.dma_semaphore, #tpu.memory_space<semaphore_mem>> -> memref<1x!tpu.dma_semaphore, #tpu.memory_space<semaphore_mem>>
      %dma_wait3A_331 = tpu.memref_squeeze %dma_wait3A_330 : memref<1x!tpu.dma_semaphore, #tpu.memory_space<semaphore_mem>> -> memref<!tpu.dma_semaphore, #tpu.memory_space<semaphore_mem>>
      %dma_wait3A_332 = arith.constant 0 : i32
      %dma_wait3A_333 = tpu.memref_slice %arg4[%add3A_321, %dma_wait3A_332] : memref<819200x32xf32, #tpu.memory_space<hbm>> -> memref<512x32xf32, #tpu.memory_space<hbm>>
      %dma_wait3A_334 = arith.constant 0 : i32
      %dma_wait3A_335 = arith.constant 0 : i32
      %dma_wait3A_336 = tpu.memref_slice %arg6[%dma_wait3A_322, %dma_wait3A_334, %dma_wait3A_335] : memref<5x512x32xf32, #tpu.memory_space<vmem>> -> memref<1x512x32xf32, #tpu.memory_space<vmem>>
      %dma_wait3A_337 = tpu.memref_squeeze %dma_wait3A_336 : memref<1x512x32xf32, #tpu.memory_space<vmem>> -> memref<512x32xf32, #tpu.memory_space<vmem>>
      tpu.wait_dma2 semaphore(%dma_wait3A_331 : memref<!tpu.dma_semaphore, #tpu.memory_space<semaphore_mem>>) src(%dma_wait3A_337 : memref<512x32xf32, #tpu.memory_space<vmem>>) dst(%dma_wait3A_333 : memref<512x32xf32, #tpu.memory_space<hbm>>)
      %add3A_338 = arith.constant 2 : i32
      %add3A_339 = arith.addi %add3A_75, %add3A_338 : i32
      %add3A_340 = arith.constant 5 : i32
      %add3A_341 = arith.addi %add3A_339, %add3A_340 : i32
      %lt3A_342 = arith.constant 50 : i32
      %lt3A_343 = arith.cmpi slt, %add3A_341, %lt3A_342 : i32
      %convert_element_type3A_344 = arith.extui %lt3A_343 : i1 to i32
      %cond3A_345 = arith.constant 0 : i32
      %cond3A_346 = arith.cmpi ne, %convert_element_type3A_344, %cond3A_345 : i32
      scf.if %cond3A_346 {
        %add3A_407 = arith.constant 2 : i32
        %add3A_408 = arith.addi %add3A_75, %add3A_407 : i32
        %add3A_409 = arith.constant 5 : i32
        %add3A_410 = arith.addi %add3A_408, %add3A_409 : i32
        %mul3A_411 = arith.constant 512 : i32
        %mul3A_412 = arith.muli %add3A_410, %mul3A_411 : i32
        %dma_start3A_413 = arith.constant 2 : i32
        %dma_start3A_414 = arith.constant 2 : i32
        %dma_start3A_415 = arith.constant 0 : i32
        %dma_start3A_416 = arith.constant 0 : i32
        %dma_start3A_417 = tpu.memref_slice %arg6[%dma_start3A_413, %dma_start3A_415, %dma_start3A_416] : memref<5x512x32xf32, #tpu.memory_space<vmem>> -> memref<1x512x32xf32, #tpu.memory_space<vmem>>
        %dma_start3A_418 = tpu.memref_squeeze %dma_start3A_417 : memref<1x512x32xf32, #tpu.memory_space<vmem>> -> memref<512x32xf32, #tpu.memory_space<vmem>>
        %dma_start3A_419 = tpu.memref_slice %arg5[%mul3A_412] : memref<25600xi32, #tpu.memory_space<vmem>> -> memref<512xi32, #tpu.memory_space<vmem>>
        %dma_start3A_420 = arith.constant 0 : i32
        %dma_start3A_421 = arith.constant 0 : i32
        %dma_start3A_422 = tpu.memref_slice %arg3[%dma_start3A_420, %dma_start3A_421] : memref<1000000x32xf32, #tpu.memory_space<hbm>> -> memref<1000000x32xf32, #tpu.memory_space<hbm>>
        %dma_start3A_423 = tpu.memref_slice %arg7[%dma_start3A_414] : memref<5x!tpu.dma_semaphore, #tpu.memory_space<semaphore_mem>> -> memref<1x!tpu.dma_semaphore, #tpu.memory_space<semaphore_mem>>
        %dma_start3A_424 = tpu.memref_squeeze %dma_start3A_423 : memref<1x!tpu.dma_semaphore, #tpu.memory_space<semaphore_mem>> -> memref<!tpu.dma_semaphore, #tpu.memory_space<semaphore_mem>>
        tpu.enqueue_indirect_dma source(%dma_start3A_422 : memref<1000000x32xf32, #tpu.memory_space<hbm>>) target(%dma_start3A_418 : memref<512x32xf32, #tpu.memory_space<vmem>>) offsets(%dma_start3A_419 : memref<512xi32, #tpu.memory_space<vmem>>) semaphore(%dma_start3A_424 : memref<!tpu.dma_semaphore, #tpu.memory_space<semaphore_mem>>)
      } else {
      }
      %add3A_347 = arith.constant 3 : i32
      %add3A_348 = arith.addi %add3A_75, %add3A_347 : i32
      %mul3A_349 = arith.constant 512 : i32
      %mul3A_350 = arith.muli %add3A_348, %mul3A_349 : i32
      %add3A_351 = arith.addi %mul3A_2, %mul3A_350 : i32
      %dma_wait3A_352 = arith.constant 3 : i32
      %dma_wait3A_353 = arith.constant 3 : i32
      %dma_wait3A_354 = arith.constant 0 : i32
      %dma_wait3A_355 = arith.constant 0 : i32
      %dma_wait3A_356 = tpu.memref_slice %arg6[%dma_wait3A_352, %dma_wait3A_354, %dma_wait3A_355] : memref<5x512x32xf32, #tpu.memory_space<vmem>> -> memref<1x512x32xf32, #tpu.memory_space<vmem>>
      %dma_wait3A_357 = tpu.memref_squeeze %dma_wait3A_356 : memref<1x512x32xf32, #tpu.memory_space<vmem>> -> memref<512x32xf32, #tpu.memory_space<vmem>>
      %dma_wait3A_358 = arith.constant 0 : i32
      %dma_wait3A_359 = tpu.memref_slice %arg4[%add3A_351, %dma_wait3A_358] : memref<819200x32xf32, #tpu.memory_space<hbm>> -> memref<512x32xf32, #tpu.memory_space<hbm>>
      %dma_wait3A_360 = tpu.memref_slice %arg8[%dma_wait3A_353] : memref<5x!tpu.dma_semaphore, #tpu.memory_space<semaphore_mem>> -> memref<1x!tpu.dma_semaphore, #tpu.memory_space<semaphore_mem>>
      %dma_wait3A_361 = tpu.memref_squeeze %dma_wait3A_360 : memref<1x!tpu.dma_semaphore, #tpu.memory_space<semaphore_mem>> -> memref<!tpu.dma_semaphore, #tpu.memory_space<semaphore_mem>>
      %dma_wait3A_362 = arith.constant 0 : i32
      %dma_wait3A_363 = tpu.memref_slice %arg4[%add3A_351, %dma_wait3A_362] : memref<819200x32xf32, #tpu.memory_space<hbm>> -> memref<512x32xf32, #tpu.memory_space<hbm>>
      %dma_wait3A_364 = arith.constant 0 : i32
      %dma_wait3A_365 = arith.constant 0 : i32
      %dma_wait3A_366 = tpu.memref_slice %arg6[%dma_wait3A_352, %dma_wait3A_364, %dma_wait3A_365] : memref<5x512x32xf32, #tpu.memory_space<vmem>> -> memref<1x512x32xf32, #tpu.memory_space<vmem>>
      %dma_wait3A_367 = tpu.memref_squeeze %dma_wait3A_366 : memref<1x512x32xf32, #tpu.memory_space<vmem>> -> memref<512x32xf32, #tpu.memory_space<vmem>>
      tpu.wait_dma2 semaphore(%dma_wait3A_361 : memref<!tpu.dma_semaphore, #tpu.memory_space<semaphore_mem>>) src(%dma_wait3A_367 : memref<512x32xf32, #tpu.memory_space<vmem>>) dst(%dma_wait3A_363 : memref<512x32xf32, #tpu.memory_space<hbm>>)
      %add3A_368 = arith.constant 3 : i32
      %add3A_369 = arith.addi %add3A_75, %add3A_368 : i32
      %add3A_370 = arith.constant 5 : i32
      %add3A_371 = arith.addi %add3A_369, %add3A_370 : i32
      %lt3A_372 = arith.constant 50 : i32
      %lt3A_373 = arith.cmpi slt, %add3A_371, %lt3A_372 : i32
      %convert_element_type3A_374 = arith.extui %lt3A_373 : i1 to i32
      %cond3A_375 = arith.constant 0 : i32
      %cond3A_376 = arith.cmpi ne, %convert_element_type3A_374, %cond3A_375 : i32
      scf.if %cond3A_376 {
        %add3A_407 = arith.constant 3 : i32
        %add3A_408 = arith.addi %add3A_75, %add3A_407 : i32
        %add3A_409 = arith.constant 5 : i32
        %add3A_410 = arith.addi %add3A_408, %add3A_409 : i32
        %mul3A_411 = arith.constant 512 : i32
        %mul3A_412 = arith.muli %add3A_410, %mul3A_411 : i32
        %dma_start3A_413 = arith.constant 3 : i32
        %dma_start3A_414 = arith.constant 3 : i32
        %dma_start3A_415 = arith.constant 0 : i32
        %dma_start3A_416 = arith.constant 0 : i32
        %dma_start3A_417 = tpu.memref_slice %arg6[%dma_start3A_413, %dma_start3A_415, %dma_start3A_416] : memref<5x512x32xf32, #tpu.memory_space<vmem>> -> memref<1x512x32xf32, #tpu.memory_space<vmem>>
        %dma_start3A_418 = tpu.memref_squeeze %dma_start3A_417 : memref<1x512x32xf32, #tpu.memory_space<vmem>> -> memref<512x32xf32, #tpu.memory_space<vmem>>
        %dma_start3A_419 = tpu.memref_slice %arg5[%mul3A_412] : memref<25600xi32, #tpu.memory_space<vmem>> -> memref<512xi32, #tpu.memory_space<vmem>>
        %dma_start3A_420 = arith.constant 0 : i32
        %dma_start3A_421 = arith.constant 0 : i32
        %dma_start3A_422 = tpu.memref_slice %arg3[%dma_start3A_420, %dma_start3A_421] : memref<1000000x32xf32, #tpu.memory_space<hbm>> -> memref<1000000x32xf32, #tpu.memory_space<hbm>>
        %dma_start3A_423 = tpu.memref_slice %arg7[%dma_start3A_414] : memref<5x!tpu.dma_semaphore, #tpu.memory_space<semaphore_mem>> -> memref<1x!tpu.dma_semaphore, #tpu.memory_space<semaphore_mem>>
        %dma_start3A_424 = tpu.memref_squeeze %dma_start3A_423 : memref<1x!tpu.dma_semaphore, #tpu.memory_space<semaphore_mem>> -> memref<!tpu.dma_semaphore, #tpu.memory_space<semaphore_mem>>
        tpu.enqueue_indirect_dma source(%dma_start3A_422 : memref<1000000x32xf32, #tpu.memory_space<hbm>>) target(%dma_start3A_418 : memref<512x32xf32, #tpu.memory_space<vmem>>) offsets(%dma_start3A_419 : memref<512xi32, #tpu.memory_space<vmem>>) semaphore(%dma_start3A_424 : memref<!tpu.dma_semaphore, #tpu.memory_space<semaphore_mem>>)
      } else {
      }
      %add3A_377 = arith.constant 4 : i32
      %add3A_378 = arith.addi %add3A_75, %add3A_377 : i32
      %mul3A_379 = arith.constant 512 : i32
      %mul3A_380 = arith.muli %add3A_378, %mul3A_379 : i32
      %add3A_381 = arith.addi %mul3A_2, %mul3A_380 : i32
      %dma_wait3A_382 = arith.constant 4 : i32
      %dma_wait3A_383 = arith.constant 4 : i32
      %dma_wait3A_384 = arith.constant 0 : i32
      %dma_wait3A_385 = arith.constant 0 : i32
      %dma_wait3A_386 = tpu.memref_slice %arg6[%dma_wait3A_382, %dma_wait3A_384, %dma_wait3A_385] : memref<5x512x32xf32, #tpu.memory_space<vmem>> -> memref<1x512x32xf32, #tpu.memory_space<vmem>>
      %dma_wait3A_387 = tpu.memref_squeeze %dma_wait3A_386 : memref<1x512x32xf32, #tpu.memory_space<vmem>> -> memref<512x32xf32, #tpu.memory_space<vmem>>
      %dma_wait3A_388 = arith.constant 0 : i32
      %dma_wait3A_389 = tpu.memref_slice %arg4[%add3A_381, %dma_wait3A_388] : memref<819200x32xf32, #tpu.memory_space<hbm>> -> memref<512x32xf32, #tpu.memory_space<hbm>>
      %dma_wait3A_390 = tpu.memref_slice %arg8[%dma_wait3A_383] : memref<5x!tpu.dma_semaphore, #tpu.memory_space<semaphore_mem>> -> memref<1x!tpu.dma_semaphore, #tpu.memory_space<semaphore_mem>>
      %dma_wait3A_391 = tpu.memref_squeeze %dma_wait3A_390 : memref<1x!tpu.dma_semaphore, #tpu.memory_space<semaphore_mem>> -> memref<!tpu.dma_semaphore, #tpu.memory_space<semaphore_mem>>
      %dma_wait3A_392 = arith.constant 0 : i32
      %dma_wait3A_393 = tpu.memref_slice %arg4[%add3A_381, %dma_wait3A_392] : memref<819200x32xf32, #tpu.memory_space<hbm>> -> memref<512x32xf32, #tpu.memory_space<hbm>>
      %dma_wait3A_394 = arith.constant 0 : i32
      %dma_wait3A_395 = arith.constant 0 : i32
      %dma_wait3A_396 = tpu.memref_slice %arg6[%dma_wait3A_382, %dma_wait3A_394, %dma_wait3A_395] : memref<5x512x32xf32, #tpu.memory_space<vmem>> -> memref<1x512x32xf32, #tpu.memory_space<vmem>>
      %dma_wait3A_397 = tpu.memref_squeeze %dma_wait3A_396 : memref<1x512x32xf32, #tpu.memory_space<vmem>> -> memref<512x32xf32, #tpu.memory_space<vmem>>
      tpu.wait_dma2 semaphore(%dma_wait3A_391 : memref<!tpu.dma_semaphore, #tpu.memory_space<semaphore_mem>>) src(%dma_wait3A_397 : memref<512x32xf32, #tpu.memory_space<vmem>>) dst(%dma_wait3A_393 : memref<512x32xf32, #tpu.memory_space<hbm>>)
      %add3A_398 = arith.constant 4 : i32
      %add3A_399 = arith.addi %add3A_75, %add3A_398 : i32
      %add3A_400 = arith.constant 5 : i32
      %add3A_401 = arith.addi %add3A_399, %add3A_400 : i32
      %lt3A_402 = arith.constant 50 : i32
      %lt3A_403 = arith.cmpi slt, %add3A_401, %lt3A_402 : i32
      %convert_element_type3A_404 = arith.extui %lt3A_403 : i1 to i32
      %cond3A_405 = arith.constant 0 : i32
      %cond3A_406 = arith.cmpi ne, %convert_element_type3A_404, %cond3A_405 : i32
      scf.if %cond3A_406 {
        %add3A_407 = arith.constant 4 : i32
        %add3A_408 = arith.addi %add3A_75, %add3A_407 : i32
        %add3A_409 = arith.constant 5 : i32
        %add3A_410 = arith.addi %add3A_408, %add3A_409 : i32
        %mul3A_411 = arith.constant 512 : i32
        %mul3A_412 = arith.muli %add3A_410, %mul3A_411 : i32
        %dma_start3A_413 = arith.constant 4 : i32
        %dma_start3A_414 = arith.constant 4 : i32
        %dma_start3A_415 = arith.constant 0 : i32
        %dma_start3A_416 = arith.constant 0 : i32
        %dma_start3A_417 = tpu.memref_slice %arg6[%dma_start3A_413, %dma_start3A_415, %dma_start3A_416] : memref<5x512x32xf32, #tpu.memory_space<vmem>> -> memref<1x512x32xf32, #tpu.memory_space<vmem>>
        %dma_start3A_418 = tpu.memref_squeeze %dma_start3A_417 : memref<1x512x32xf32, #tpu.memory_space<vmem>> -> memref<512x32xf32, #tpu.memory_space<vmem>>
        %dma_start3A_419 = tpu.memref_slice %arg5[%mul3A_412] : memref<25600xi32, #tpu.memory_space<vmem>> -> memref<512xi32, #tpu.memory_space<vmem>>
        %dma_start3A_420 = arith.constant 0 : i32
        %dma_start3A_421 = arith.constant 0 : i32
        %dma_start3A_422 = tpu.memref_slice %arg3[%dma_start3A_420, %dma_start3A_421] : memref<1000000x32xf32, #tpu.memory_space<hbm>> -> memref<1000000x32xf32, #tpu.memory_space<hbm>>
        %dma_start3A_423 = tpu.memref_slice %arg7[%dma_start3A_414] : memref<5x!tpu.dma_semaphore, #tpu.memory_space<semaphore_mem>> -> memref<1x!tpu.dma_semaphore, #tpu.memory_space<semaphore_mem>>
        %dma_start3A_424 = tpu.memref_squeeze %dma_start3A_423 : memref<1x!tpu.dma_semaphore, #tpu.memory_space<semaphore_mem>> -> memref<!tpu.dma_semaphore, #tpu.memory_space<semaphore_mem>>
        tpu.enqueue_indirect_dma source(%dma_start3A_422 : memref<1000000x32xf32, #tpu.memory_space<hbm>>) target(%dma_start3A_418 : memref<512x32xf32, #tpu.memory_space<vmem>>) offsets(%dma_start3A_419 : memref<512xi32, #tpu.memory_space<vmem>>) semaphore(%dma_start3A_424 : memref<!tpu.dma_semaphore, #tpu.memory_space<semaphore_mem>>)
      } else {
      }
    }
    %scan3A_70 = arith.constant 10 : i32
    return
  }
}

#map = affine_map<(d0, d1) -> (0)>
#map1 = affine_map<(d0, d1) -> (0, 0)>
module attributes {stable_mosaic.version = 14 : i64} {
  func.func @repack_kernel(%arg0: i32, %arg1: i32, %arg2: memref<26214400xf32, #tpu.memory_space<hbm>>, %arg3: memref<819200x32xf32, #tpu.memory_space<hbm>>, %arg4: memref<2x6400xf32, #tpu.memory_space<vmem>>, %arg5: memref<2x200x32xf32, #tpu.memory_space<vmem>>, %arg6: memref<2x!tpu.dma_semaphore, #tpu.memory_space<semaphore_mem>>, %arg7: memref<2x!tpu.dma_semaphore, #tpu.memory_space<semaphore_mem>>) attributes {dimension_semantics = [#tpu.dimension_semantics<core_parallel>, #tpu.dimension_semantics<subcore_parallel>], iteration_bounds = array<i64: 2, 16>, scalar_prefetch = 0 : i64, scratch_operands = 4 : i64, tpu.core_type = #tpu.core_type<sc_vector_subcore>, window_params = [{transform_indices = #map}, {transform_indices = #map1}]} {
    %mul3A = arith.constant 2 : i32
    %mul3A_0 = arith.muli %arg1, %mul3A : i32
    %add3A = arith.addi %mul3A_0, %arg0 : i32
    %mul3A_1 = arith.constant 128 : i32
    %mul3A_2 = arith.muli %add3A, %mul3A_1 : i32
    %add3A_3 = arith.constant 0 : i32
    %add3A_4 = arith.addi %mul3A_2, %add3A_3 : i32
    %mul3A_5 = arith.constant 6400 : i32
    %mul3A_6 = arith.muli %add3A_4, %mul3A_5 : i32
    %dma_start3A = arith.constant 0 : i32
    %dma_start3A_7 = arith.constant 0 : i32
    %dma_start3A_8 = arith.constant 0 : i32
    %dma_start3A_9 = tpu.memref_slice %arg4[%dma_start3A, %dma_start3A_8] : memref<2x6400xf32, #tpu.memory_space<vmem>> -> memref<1x6400xf32, #tpu.memory_space<vmem>>
    %dma_start3A_10 = tpu.memref_squeeze %dma_start3A_9 : memref<1x6400xf32, #tpu.memory_space<vmem>> -> memref<6400xf32, #tpu.memory_space<vmem>>
    %dma_start3A_11 = tpu.memref_slice %arg2[%mul3A_6] : memref<26214400xf32, #tpu.memory_space<hbm>> -> memref<6400xf32, #tpu.memory_space<hbm>>
    %dma_start3A_12 = tpu.memref_slice %arg6[%dma_start3A_7] : memref<2x!tpu.dma_semaphore, #tpu.memory_space<semaphore_mem>> -> memref<1x!tpu.dma_semaphore, #tpu.memory_space<semaphore_mem>>
    %dma_start3A_13 = tpu.memref_squeeze %dma_start3A_12 : memref<1x!tpu.dma_semaphore, #tpu.memory_space<semaphore_mem>> -> memref<!tpu.dma_semaphore, #tpu.memory_space<semaphore_mem>>
    %dma_start3A_14 = arith.constant 0 : i32
    %dma_start3A_15 = tpu.memref_slice %arg4[%dma_start3A, %dma_start3A_14] : memref<2x6400xf32, #tpu.memory_space<vmem>> -> memref<1x6400xf32, #tpu.memory_space<vmem>>
    %dma_start3A_16 = tpu.memref_squeeze %dma_start3A_15 : memref<1x6400xf32, #tpu.memory_space<vmem>> -> memref<6400xf32, #tpu.memory_space<vmem>>
    %dma_start3A_17 = tpu.memref_slice %arg2[%mul3A_6] : memref<26214400xf32, #tpu.memory_space<hbm>> -> memref<6400xf32, #tpu.memory_space<hbm>>
    tpu.enqueue_dma source(%dma_start3A_17 : memref<6400xf32, #tpu.memory_space<hbm>>) target(%dma_start3A_16 : memref<6400xf32, #tpu.memory_space<vmem>>) target_semaphore(%dma_start3A_13 : memref<!tpu.dma_semaphore, #tpu.memory_space<semaphore_mem>>)
    %add3A_18 = arith.constant 1 : i32
    %add3A_19 = arith.addi %mul3A_2, %add3A_18 : i32
    %mul3A_20 = arith.constant 6400 : i32
    %mul3A_21 = arith.muli %add3A_19, %mul3A_20 : i32
    %dma_start3A_22 = arith.constant 1 : i32
    %dma_start3A_23 = arith.constant 1 : i32
    %dma_start3A_24 = arith.constant 0 : i32
    %dma_start3A_25 = tpu.memref_slice %arg4[%dma_start3A_22, %dma_start3A_24] : memref<2x6400xf32, #tpu.memory_space<vmem>> -> memref<1x6400xf32, #tpu.memory_space<vmem>>
    %dma_start3A_26 = tpu.memref_squeeze %dma_start3A_25 : memref<1x6400xf32, #tpu.memory_space<vmem>> -> memref<6400xf32, #tpu.memory_space<vmem>>
    %dma_start3A_27 = tpu.memref_slice %arg2[%mul3A_21] : memref<26214400xf32, #tpu.memory_space<hbm>> -> memref<6400xf32, #tpu.memory_space<hbm>>
    %dma_start3A_28 = tpu.memref_slice %arg6[%dma_start3A_23] : memref<2x!tpu.dma_semaphore, #tpu.memory_space<semaphore_mem>> -> memref<1x!tpu.dma_semaphore, #tpu.memory_space<semaphore_mem>>
    %dma_start3A_29 = tpu.memref_squeeze %dma_start3A_28 : memref<1x!tpu.dma_semaphore, #tpu.memory_space<semaphore_mem>> -> memref<!tpu.dma_semaphore, #tpu.memory_space<semaphore_mem>>
    %dma_start3A_30 = arith.constant 0 : i32
    %dma_start3A_31 = tpu.memref_slice %arg4[%dma_start3A_22, %dma_start3A_30] : memref<2x6400xf32, #tpu.memory_space<vmem>> -> memref<1x6400xf32, #tpu.memory_space<vmem>>
    %dma_start3A_32 = tpu.memref_squeeze %dma_start3A_31 : memref<1x6400xf32, #tpu.memory_space<vmem>> -> memref<6400xf32, #tpu.memory_space<vmem>>
    %dma_start3A_33 = tpu.memref_slice %arg2[%mul3A_21] : memref<26214400xf32, #tpu.memory_space<hbm>> -> memref<6400xf32, #tpu.memory_space<hbm>>
    tpu.enqueue_dma source(%dma_start3A_33 : memref<6400xf32, #tpu.memory_space<hbm>>) target(%dma_start3A_32 : memref<6400xf32, #tpu.memory_space<vmem>>) target_semaphore(%dma_start3A_29 : memref<!tpu.dma_semaphore, #tpu.memory_space<semaphore_mem>>)
    %scan3A = arith.constant 0 : i32
    %scan3A_34 = arith.constant 64 : i32
    %scan3A_35 = arith.addi %scan3A, %scan3A_34 : i32
    %scan3A_36 = arith.constant 1 : i32
    scf.for %scan3A_77 = %scan3A to %scan3A_35 step %scan3A_36  : i32 {
      %mul3A_78 = arith.constant 2 : i32
      %mul3A_79 = arith.muli %scan3A_77, %mul3A_78 : i32
      %add3A_80 = arith.constant 0 : i32
      %add3A_81 = arith.addi %add3A_80, %mul3A_79 : i32
      %add3A_82 = arith.constant 0 : i32
      %add3A_83 = arith.addi %add3A_81, %add3A_82 : i32
      %add3A_84 = arith.addi %mul3A_2, %add3A_83 : i32
      %mul3A_85 = arith.constant 6400 : i32
      %mul3A_86 = arith.muli %add3A_84, %mul3A_85 : i32
      %dma_wait3A_87 = arith.constant 0 : i32
      %dma_wait3A_88 = arith.constant 0 : i32
      %dma_wait3A_89 = arith.constant 0 : i32
      %dma_wait3A_90 = tpu.memref_slice %arg4[%dma_wait3A_87, %dma_wait3A_89] : memref<2x6400xf32, #tpu.memory_space<vmem>> -> memref<1x6400xf32, #tpu.memory_space<vmem>>
      %dma_wait3A_91 = tpu.memref_squeeze %dma_wait3A_90 : memref<1x6400xf32, #tpu.memory_space<vmem>> -> memref<6400xf32, #tpu.memory_space<vmem>>
      %dma_wait3A_92 = tpu.memref_slice %arg2[%mul3A_86] : memref<26214400xf32, #tpu.memory_space<hbm>> -> memref<6400xf32, #tpu.memory_space<hbm>>
      %dma_wait3A_93 = tpu.memref_slice %arg6[%dma_wait3A_88] : memref<2x!tpu.dma_semaphore, #tpu.memory_space<semaphore_mem>> -> memref<1x!tpu.dma_semaphore, #tpu.memory_space<semaphore_mem>>
      %dma_wait3A_94 = tpu.memref_squeeze %dma_wait3A_93 : memref<1x!tpu.dma_semaphore, #tpu.memory_space<semaphore_mem>> -> memref<!tpu.dma_semaphore, #tpu.memory_space<semaphore_mem>>
      %dma_wait3A_95 = arith.constant 0 : i32
      %dma_wait3A_96 = tpu.memref_slice %arg4[%dma_wait3A_87, %dma_wait3A_95] : memref<2x6400xf32, #tpu.memory_space<vmem>> -> memref<1x6400xf32, #tpu.memory_space<vmem>>
      %dma_wait3A_97 = tpu.memref_squeeze %dma_wait3A_96 : memref<1x6400xf32, #tpu.memory_space<vmem>> -> memref<6400xf32, #tpu.memory_space<vmem>>
      %dma_wait3A_98 = tpu.memref_slice %arg2[%mul3A_86] : memref<26214400xf32, #tpu.memory_space<hbm>> -> memref<6400xf32, #tpu.memory_space<hbm>>
      tpu.wait_dma2 semaphore(%dma_wait3A_94 : memref<!tpu.dma_semaphore, #tpu.memory_space<semaphore_mem>>) src(%dma_wait3A_98 : memref<6400xf32, #tpu.memory_space<hbm>>) dst(%dma_wait3A_97 : memref<6400xf32, #tpu.memory_space<vmem>>)
      %add3A_99 = arith.constant 0 : i32
      %add3A_100 = arith.addi %add3A_81, %add3A_99 : i32
      %ge3A = arith.constant 2 : i32
      %ge3A_101 = arith.cmpi sge, %add3A_100, %ge3A : i32
      %convert_element_type3A = arith.extui %ge3A_101 : i1 to i32
      %cond3A = arith.constant 0 : i32
      %cond3A_102 = arith.cmpi ne, %convert_element_type3A, %cond3A : i32
      scf.if %cond3A_102 {
        %add3A_196 = arith.constant 0 : i32
        %add3A_197 = arith.addi %add3A_81, %add3A_196 : i32
        %sub3A = arith.constant 2 : i32
        %sub3A_198 = arith.subi %add3A_197, %sub3A : i32
        %add3A_199 = arith.addi %mul3A_2, %sub3A_198 : i32
        %mul3A_200 = arith.constant 200 : i32
        %mul3A_201 = arith.muli %add3A_199, %mul3A_200 : i32
        %dma_wait3A_202 = arith.constant 0 : i32
        %dma_wait3A_203 = arith.constant 0 : i32
        %dma_wait3A_204 = arith.constant 0 : i32
        %dma_wait3A_205 = arith.constant 0 : i32
        %dma_wait3A_206 = tpu.memref_slice %arg5[%dma_wait3A_202, %dma_wait3A_204, %dma_wait3A_205] : memref<2x200x32xf32, #tpu.memory_space<vmem>> -> memref<1x200x32xf32, #tpu.memory_space<vmem>>
        %dma_wait3A_207 = tpu.memref_squeeze %dma_wait3A_206 : memref<1x200x32xf32, #tpu.memory_space<vmem>> -> memref<200x32xf32, #tpu.memory_space<vmem>>
        %dma_wait3A_208 = arith.constant 0 : i32
        %dma_wait3A_209 = tpu.memref_slice %arg3[%mul3A_201, %dma_wait3A_208] : memref<819200x32xf32, #tpu.memory_space<hbm>> -> memref<200x32xf32, #tpu.memory_space<hbm>>
        %dma_wait3A_210 = tpu.memref_slice %arg7[%dma_wait3A_203] : memref<2x!tpu.dma_semaphore, #tpu.memory_space<semaphore_mem>> -> memref<1x!tpu.dma_semaphore, #tpu.memory_space<semaphore_mem>>
        %dma_wait3A_211 = tpu.memref_squeeze %dma_wait3A_210 : memref<1x!tpu.dma_semaphore, #tpu.memory_space<semaphore_mem>> -> memref<!tpu.dma_semaphore, #tpu.memory_space<semaphore_mem>>
        %dma_wait3A_212 = arith.constant 0 : i32
        %dma_wait3A_213 = tpu.memref_slice %arg3[%mul3A_201, %dma_wait3A_212] : memref<819200x32xf32, #tpu.memory_space<hbm>> -> memref<200x32xf32, #tpu.memory_space<hbm>>
        %dma_wait3A_214 = arith.constant 0 : i32
        %dma_wait3A_215 = arith.constant 0 : i32
        %dma_wait3A_216 = tpu.memref_slice %arg5[%dma_wait3A_202, %dma_wait3A_214, %dma_wait3A_215] : memref<2x200x32xf32, #tpu.memory_space<vmem>> -> memref<1x200x32xf32, #tpu.memory_space<vmem>>
        %dma_wait3A_217 = tpu.memref_squeeze %dma_wait3A_216 : memref<1x200x32xf32, #tpu.memory_space<vmem>> -> memref<200x32xf32, #tpu.memory_space<vmem>>
        tpu.wait_dma2 semaphore(%dma_wait3A_211 : memref<!tpu.dma_semaphore, #tpu.memory_space<semaphore_mem>>) src(%dma_wait3A_217 : memref<200x32xf32, #tpu.memory_space<vmem>>) dst(%dma_wait3A_213 : memref<200x32xf32, #tpu.memory_space<hbm>>)
      } else {
      }
      %scan3A_103 = arith.constant 0 : i32
      %scan3A_104 = arith.constant 200 : i32
      %scan3A_105 = arith.addi %scan3A_103, %scan3A_104 : i32
      %scan3A_106 = arith.constant 1 : i32
      scf.for %scan3A_196 = %scan3A_103 to %scan3A_105 step %scan3A_106  : i32 {
        %mul3A_197 = arith.constant 1 : i32
        %mul3A_198 = arith.muli %scan3A_196, %mul3A_197 : i32
        %add3A_199 = arith.constant 0 : i32
        %add3A_200 = arith.addi %add3A_199, %mul3A_198 : i32
        %mul3A_201 = arith.constant 32 : i32
        %mul3A_202 = arith.muli %mul3A_201, %add3A_200 : i32
        %multiple_of3A = tpu.assume_multiple %mul3A_202, 8 : i32
        %add3A_203 = arith.constant 0 : i32
        %add3A_204 = arith.addi %multiple_of3A, %add3A_203 : i32
        %get3A = arith.constant 0 : i32
        %get3A_205 = arith.index_cast %get3A : i32 to index
        %get3A_206 = arith.index_cast %add3A_204 : i32 to index
        %get3A_207 = tpu.vector_load %arg4[%get3A_205, %get3A_206] {strides = array<i32>} : memref<2x6400xf32, #tpu.memory_space<vmem>>, vector<1x16xf32>,
        %get3A_208 = vector.shape_cast %get3A_207 : vector<1x16xf32> to vector<16xf32>
        %swap3A = arith.constant 0 : i32
        %swap3A_209 = arith.index_cast %swap3A : i32 to index
        %swap3A_210 = arith.index_cast %add3A_200 : i32 to index
        %swap3A_211 = arith.constant 0 : index
        %swap3A_212 = tpu.vector_load %arg5[%swap3A_209, %swap3A_210, %swap3A_211] {strides = array<i32>} : memref<2x200x32xf32, #tpu.memory_space<vmem>>, vector<1x1x16xf32>,
        %swap3A_213 = vector.shape_cast %swap3A_212 : vector<1x1x16xf32> to vector<16xf32>
        %swap3A_214 = vector.shape_cast %get3A_208 : vector<16xf32> to vector<1x1x16xf32>
        tpu.vector_store %arg5[%swap3A_209, %swap3A_210, %swap3A_211], %swap3A_214 {strides = array<i32>} : memref<2x200x32xf32, #tpu.memory_space<vmem>>, vector<1x1x16xf32>,
        %add3A_215 = arith.constant 16 : i32
        %add3A_216 = arith.addi %multiple_of3A, %add3A_215 : i32
        %get3A_217 = arith.constant 0 : i32
        %get3A_218 = arith.index_cast %get3A_217 : i32 to index
        %get3A_219 = arith.index_cast %add3A_216 : i32 to index
        %get3A_220 = tpu.vector_load %arg4[%get3A_218, %get3A_219] {strides = array<i32>} : memref<2x6400xf32, #tpu.memory_space<vmem>>, vector<1x16xf32>,
        %get3A_221 = vector.shape_cast %get3A_220 : vector<1x16xf32> to vector<16xf32>
        %swap3A_222 = arith.constant 0 : i32
        %swap3A_223 = arith.index_cast %swap3A_222 : i32 to index
        %swap3A_224 = arith.index_cast %add3A_200 : i32 to index
        %swap3A_225 = arith.constant 16 : index
        %swap3A_226 = tpu.vector_load %arg5[%swap3A_223, %swap3A_224, %swap3A_225] {strides = array<i32>} : memref<2x200x32xf32, #tpu.memory_space<vmem>>, vector<1x1x16xf32>,
        %swap3A_227 = vector.shape_cast %swap3A_226 : vector<1x1x16xf32> to vector<16xf32>
        %swap3A_228 = vector.shape_cast %get3A_221 : vector<16xf32> to vector<1x1x16xf32>
        tpu.vector_store %arg5[%swap3A_223, %swap3A_224, %swap3A_225], %swap3A_228 {strides = array<i32>} : memref<2x200x32xf32, #tpu.memory_space<vmem>>, vector<1x1x16xf32>,
      }
      %scan3A_107 = arith.constant 200 : i32
      %add3A_108 = arith.constant 0 : i32
      %add3A_109 = arith.addi %add3A_81, %add3A_108 : i32
      %add3A_110 = arith.addi %mul3A_2, %add3A_109 : i32
      %mul3A_111 = arith.constant 200 : i32
      %mul3A_112 = arith.muli %add3A_110, %mul3A_111 : i32
      %dma_start3A_113 = arith.constant 0 : i32
      %dma_start3A_114 = arith.constant 0 : i32
      %dma_start3A_115 = arith.constant 0 : i32
      %dma_start3A_116 = arith.constant 0 : i32
      %dma_start3A_117 = tpu.memref_slice %arg5[%dma_start3A_113, %dma_start3A_115, %dma_start3A_116] : memref<2x200x32xf32, #tpu.memory_space<vmem>> -> memref<1x200x32xf32, #tpu.memory_space<vmem>>
      %dma_start3A_118 = tpu.memref_squeeze %dma_start3A_117 : memref<1x200x32xf32, #tpu.memory_space<vmem>> -> memref<200x32xf32, #tpu.memory_space<vmem>>
      %dma_start3A_119 = arith.constant 0 : i32
      %dma_start3A_120 = tpu.memref_slice %arg3[%mul3A_112, %dma_start3A_119] : memref<819200x32xf32, #tpu.memory_space<hbm>> -> memref<200x32xf32, #tpu.memory_space<hbm>>
      %dma_start3A_121 = tpu.memref_slice %arg7[%dma_start3A_114] : memref<2x!tpu.dma_semaphore, #tpu.memory_space<semaphore_mem>> -> memref<1x!tpu.dma_semaphore, #tpu.memory_space<semaphore_mem>>
      %dma_start3A_122 = tpu.memref_squeeze %dma_start3A_121 : memref<1x!tpu.dma_semaphore, #tpu.memory_space<semaphore_mem>> -> memref<!tpu.dma_semaphore, #tpu.memory_space<semaphore_mem>>
      %dma_start3A_123 = arith.constant 0 : i32
      %dma_start3A_124 = tpu.memref_slice %arg3[%mul3A_112, %dma_start3A_123] : memref<819200x32xf32, #tpu.memory_space<hbm>> -> memref<200x32xf32, #tpu.memory_space<hbm>>
      %dma_start3A_125 = arith.constant 0 : i32
      %dma_start3A_126 = arith.constant 0 : i32
      %dma_start3A_127 = tpu.memref_slice %arg5[%dma_start3A_113, %dma_start3A_125, %dma_start3A_126] : memref<2x200x32xf32, #tpu.memory_space<vmem>> -> memref<1x200x32xf32, #tpu.memory_space<vmem>>
      %dma_start3A_128 = tpu.memref_squeeze %dma_start3A_127 : memref<1x200x32xf32, #tpu.memory_space<vmem>> -> memref<200x32xf32, #tpu.memory_space<vmem>>
      tpu.enqueue_dma source(%dma_start3A_128 : memref<200x32xf32, #tpu.memory_space<vmem>>) target(%dma_start3A_124 : memref<200x32xf32, #tpu.memory_space<hbm>>) target_semaphore(%dma_start3A_122 : memref<!tpu.dma_semaphore, #tpu.memory_space<semaphore_mem>>)
      %add3A_129 = arith.constant 0 : i32
      %add3A_130 = arith.addi %add3A_81, %add3A_129 : i32
      %add3A_131 = arith.constant 2 : i32
      %add3A_132 = arith.addi %add3A_130, %add3A_131 : i32
      %lt3A = arith.constant 128 : i32
      %lt3A_133 = arith.cmpi slt, %add3A_132, %lt3A : i32
      %convert_element_type3A_134 = arith.extui %lt3A_133 : i1 to i32
      %cond3A_135 = arith.constant 0 : i32
      %cond3A_136 = arith.cmpi ne, %convert_element_type3A_134, %cond3A_135 : i32
      scf.if %cond3A_136 {
        %add3A_196 = arith.constant 0 : i32
        %add3A_197 = arith.addi %add3A_81, %add3A_196 : i32
        %add3A_198 = arith.constant 2 : i32
        %add3A_199 = arith.addi %add3A_197, %add3A_198 : i32
        %add3A_200 = arith.addi %mul3A_2, %add3A_199 : i32
        %mul3A_201 = arith.constant 6400 : i32
        %mul3A_202 = arith.muli %add3A_200, %mul3A_201 : i32
        %dma_start3A_203 = arith.constant 0 : i32
        %dma_start3A_204 = arith.constant 0 : i32
        %dma_start3A_205 = arith.constant 0 : i32
        %dma_start3A_206 = tpu.memref_slice %arg4[%dma_start3A_203, %dma_start3A_205] : memref<2x6400xf32, #tpu.memory_space<vmem>> -> memref<1x6400xf32, #tpu.memory_space<vmem>>
        %dma_start3A_207 = tpu.memref_squeeze %dma_start3A_206 : memref<1x6400xf32, #tpu.memory_space<vmem>> -> memref<6400xf32, #tpu.memory_space<vmem>>
        %dma_start3A_208 = tpu.memref_slice %arg2[%mul3A_202] : memref<26214400xf32, #tpu.memory_space<hbm>> -> memref<6400xf32, #tpu.memory_space<hbm>>
        %dma_start3A_209 = tpu.memref_slice %arg6[%dma_start3A_204] : memref<2x!tpu.dma_semaphore, #tpu.memory_space<semaphore_mem>> -> memref<1x!tpu.dma_semaphore, #tpu.memory_space<semaphore_mem>>
        %dma_start3A_210 = tpu.memref_squeeze %dma_start3A_209 : memref<1x!tpu.dma_semaphore, #tpu.memory_space<semaphore_mem>> -> memref<!tpu.dma_semaphore, #tpu.memory_space<semaphore_mem>>
        %dma_start3A_211 = arith.constant 0 : i32
        %dma_start3A_212 = tpu.memref_slice %arg4[%dma_start3A_203, %dma_start3A_211] : memref<2x6400xf32, #tpu.memory_space<vmem>> -> memref<1x6400xf32, #tpu.memory_space<vmem>>
        %dma_start3A_213 = tpu.memref_squeeze %dma_start3A_212 : memref<1x6400xf32, #tpu.memory_space<vmem>> -> memref<6400xf32, #tpu.memory_space<vmem>>
        %dma_start3A_214 = tpu.memref_slice %arg2[%mul3A_202] : memref<26214400xf32, #tpu.memory_space<hbm>> -> memref<6400xf32, #tpu.memory_space<hbm>>
        tpu.enqueue_dma source(%dma_start3A_214 : memref<6400xf32, #tpu.memory_space<hbm>>) target(%dma_start3A_213 : memref<6400xf32, #tpu.memory_space<vmem>>) target_semaphore(%dma_start3A_210 : memref<!tpu.dma_semaphore, #tpu.memory_space<semaphore_mem>>)
      } else {
      }
      %add3A_137 = arith.constant 1 : i32
      %add3A_138 = arith.addi %add3A_81, %add3A_137 : i32
      %add3A_139 = arith.addi %mul3A_2, %add3A_138 : i32
      %mul3A_140 = arith.constant 6400 : i32
      %mul3A_141 = arith.muli %add3A_139, %mul3A_140 : i32
      %dma_wait3A_142 = arith.constant 1 : i32
      %dma_wait3A_143 = arith.constant 1 : i32
      %dma_wait3A_144 = arith.constant 0 : i32
      %dma_wait3A_145 = tpu.memref_slice %arg4[%dma_wait3A_142, %dma_wait3A_144] : memref<2x6400xf32, #tpu.memory_space<vmem>> -> memref<1x6400xf32, #tpu.memory_space<vmem>>
      %dma_wait3A_146 = tpu.memref_squeeze %dma_wait3A_145 : memref<1x6400xf32, #tpu.memory_space<vmem>> -> memref<6400xf32, #tpu.memory_space<vmem>>
      %dma_wait3A_147 = tpu.memref_slice %arg2[%mul3A_141] : memref<26214400xf32, #tpu.memory_space<hbm>> -> memref<6400xf32, #tpu.memory_space<hbm>>
      %dma_wait3A_148 = tpu.memref_slice %arg6[%dma_wait3A_143] : memref<2x!tpu.dma_semaphore, #tpu.memory_space<semaphore_mem>> -> memref<1x!tpu.dma_semaphore, #tpu.memory_space<semaphore_mem>>
      %dma_wait3A_149 = tpu.memref_squeeze %dma_wait3A_148 : memref<1x!tpu.dma_semaphore, #tpu.memory_space<semaphore_mem>> -> memref<!tpu.dma_semaphore, #tpu.memory_space<semaphore_mem>>
      %dma_wait3A_150 = arith.constant 0 : i32
      %dma_wait3A_151 = tpu.memref_slice %arg4[%dma_wait3A_142, %dma_wait3A_150] : memref<2x6400xf32, #tpu.memory_space<vmem>> -> memref<1x6400xf32, #tpu.memory_space<vmem>>
      %dma_wait3A_152 = tpu.memref_squeeze %dma_wait3A_151 : memref<1x6400xf32, #tpu.memory_space<vmem>> -> memref<6400xf32, #tpu.memory_space<vmem>>
      %dma_wait3A_153 = tpu.memref_slice %arg2[%mul3A_141] : memref<26214400xf32, #tpu.memory_space<hbm>> -> memref<6400xf32, #tpu.memory_space<hbm>>
      tpu.wait_dma2 semaphore(%dma_wait3A_149 : memref<!tpu.dma_semaphore, #tpu.memory_space<semaphore_mem>>) src(%dma_wait3A_153 : memref<6400xf32, #tpu.memory_space<hbm>>) dst(%dma_wait3A_152 : memref<6400xf32, #tpu.memory_space<vmem>>)
      %add3A_154 = arith.constant 1 : i32
      %add3A_155 = arith.addi %add3A_81, %add3A_154 : i32
      %ge3A_156 = arith.constant 2 : i32
      %ge3A_157 = arith.cmpi sge, %add3A_155, %ge3A_156 : i32
      %convert_element_type3A_158 = arith.extui %ge3A_157 : i1 to i32
      %cond3A_159 = arith.constant 0 : i32
      %cond3A_160 = arith.cmpi ne, %convert_element_type3A_158, %cond3A_159 : i32
      scf.if %cond3A_160 {
        %add3A_196 = arith.constant 1 : i32
        %add3A_197 = arith.addi %add3A_81, %add3A_196 : i32
        %sub3A = arith.constant 2 : i32
        %sub3A_198 = arith.subi %add3A_197, %sub3A : i32
        %add3A_199 = arith.addi %mul3A_2, %sub3A_198 : i32
        %mul3A_200 = arith.constant 200 : i32
        %mul3A_201 = arith.muli %add3A_199, %mul3A_200 : i32
        %dma_wait3A_202 = arith.constant 1 : i32
        %dma_wait3A_203 = arith.constant 1 : i32
        %dma_wait3A_204 = arith.constant 0 : i32
        %dma_wait3A_205 = arith.constant 0 : i32
        %dma_wait3A_206 = tpu.memref_slice %arg5[%dma_wait3A_202, %dma_wait3A_204, %dma_wait3A_205] : memref<2x200x32xf32, #tpu.memory_space<vmem>> -> memref<1x200x32xf32, #tpu.memory_space<vmem>>
        %dma_wait3A_207 = tpu.memref_squeeze %dma_wait3A_206 : memref<1x200x32xf32, #tpu.memory_space<vmem>> -> memref<200x32xf32, #tpu.memory_space<vmem>>
        %dma_wait3A_208 = arith.constant 0 : i32
        %dma_wait3A_209 = tpu.memref_slice %arg3[%mul3A_201, %dma_wait3A_208] : memref<819200x32xf32, #tpu.memory_space<hbm>> -> memref<200x32xf32, #tpu.memory_space<hbm>>
        %dma_wait3A_210 = tpu.memref_slice %arg7[%dma_wait3A_203] : memref<2x!tpu.dma_semaphore, #tpu.memory_space<semaphore_mem>> -> memref<1x!tpu.dma_semaphore, #tpu.memory_space<semaphore_mem>>
        %dma_wait3A_211 = tpu.memref_squeeze %dma_wait3A_210 : memref<1x!tpu.dma_semaphore, #tpu.memory_space<semaphore_mem>> -> memref<!tpu.dma_semaphore, #tpu.memory_space<semaphore_mem>>
        %dma_wait3A_212 = arith.constant 0 : i32
        %dma_wait3A_213 = tpu.memref_slice %arg3[%mul3A_201, %dma_wait3A_212] : memref<819200x32xf32, #tpu.memory_space<hbm>> -> memref<200x32xf32, #tpu.memory_space<hbm>>
        %dma_wait3A_214 = arith.constant 0 : i32
        %dma_wait3A_215 = arith.constant 0 : i32
        %dma_wait3A_216 = tpu.memref_slice %arg5[%dma_wait3A_202, %dma_wait3A_214, %dma_wait3A_215] : memref<2x200x32xf32, #tpu.memory_space<vmem>> -> memref<1x200x32xf32, #tpu.memory_space<vmem>>
        %dma_wait3A_217 = tpu.memref_squeeze %dma_wait3A_216 : memref<1x200x32xf32, #tpu.memory_space<vmem>> -> memref<200x32xf32, #tpu.memory_space<vmem>>
        tpu.wait_dma2 semaphore(%dma_wait3A_211 : memref<!tpu.dma_semaphore, #tpu.memory_space<semaphore_mem>>) src(%dma_wait3A_217 : memref<200x32xf32, #tpu.memory_space<vmem>>) dst(%dma_wait3A_213 : memref<200x32xf32, #tpu.memory_space<hbm>>)
      } else {
      }
      %scan3A_161 = arith.constant 0 : i32
      %scan3A_162 = arith.constant 200 : i32
      %scan3A_163 = arith.addi %scan3A_161, %scan3A_162 : i32
      %scan3A_164 = arith.constant 1 : i32
      scf.for %scan3A_196 = %scan3A_161 to %scan3A_163 step %scan3A_164  : i32 {
        %mul3A_197 = arith.constant 1 : i32
        %mul3A_198 = arith.muli %scan3A_196, %mul3A_197 : i32
        %add3A_199 = arith.constant 0 : i32
        %add3A_200 = arith.addi %add3A_199, %mul3A_198 : i32
        %mul3A_201 = arith.constant 32 : i32
        %mul3A_202 = arith.muli %mul3A_201, %add3A_200 : i32
        %multiple_of3A = tpu.assume_multiple %mul3A_202, 8 : i32
        %add3A_203 = arith.constant 0 : i32
        %add3A_204 = arith.addi %multiple_of3A, %add3A_203 : i32
        %get3A = arith.constant 1 : i32
        %get3A_205 = arith.index_cast %get3A : i32 to index
        %get3A_206 = arith.index_cast %add3A_204 : i32 to index
        %get3A_207 = tpu.vector_load %arg4[%get3A_205, %get3A_206] {strides = array<i32>} : memref<2x6400xf32, #tpu.memory_space<vmem>>, vector<1x16xf32>,
        %get3A_208 = vector.shape_cast %get3A_207 : vector<1x16xf32> to vector<16xf32>
        %swap3A = arith.constant 1 : i32
        %swap3A_209 = arith.index_cast %swap3A : i32 to index
        %swap3A_210 = arith.index_cast %add3A_200 : i32 to index
        %swap3A_211 = arith.constant 0 : index
        %swap3A_212 = tpu.vector_load %arg5[%swap3A_209, %swap3A_210, %swap3A_211] {strides = array<i32>} : memref<2x200x32xf32, #tpu.memory_space<vmem>>, vector<1x1x16xf32>,
        %swap3A_213 = vector.shape_cast %swap3A_212 : vector<1x1x16xf32> to vector<16xf32>
        %swap3A_214 = vector.shape_cast %get3A_208 : vector<16xf32> to vector<1x1x16xf32>
        tpu.vector_store %arg5[%swap3A_209, %swap3A_210, %swap3A_211], %swap3A_214 {strides = array<i32>} : memref<2x200x32xf32, #tpu.memory_space<vmem>>, vector<1x1x16xf32>,
        %add3A_215 = arith.constant 16 : i32
        %add3A_216 = arith.addi %multiple_of3A, %add3A_215 : i32
        %get3A_217 = arith.constant 1 : i32
        %get3A_218 = arith.index_cast %get3A_217 : i32 to index
        %get3A_219 = arith.index_cast %add3A_216 : i32 to index
        %get3A_220 = tpu.vector_load %arg4[%get3A_218, %get3A_219] {strides = array<i32>} : memref<2x6400xf32, #tpu.memory_space<vmem>>, vector<1x16xf32>,
        %get3A_221 = vector.shape_cast %get3A_220 : vector<1x16xf32> to vector<16xf32>
        %swap3A_222 = arith.constant 1 : i32
        %swap3A_223 = arith.index_cast %swap3A_222 : i32 to index
        %swap3A_224 = arith.index_cast %add3A_200 : i32 to index
        %swap3A_225 = arith.constant 16 : index
        %swap3A_226 = tpu.vector_load %arg5[%swap3A_223, %swap3A_224, %swap3A_225] {strides = array<i32>} : memref<2x200x32xf32, #tpu.memory_space<vmem>>, vector<1x1x16xf32>,
        %swap3A_227 = vector.shape_cast %swap3A_226 : vector<1x1x16xf32> to vector<16xf32>
        %swap3A_228 = vector.shape_cast %get3A_221 : vector<16xf32> to vector<1x1x16xf32>
        tpu.vector_store %arg5[%swap3A_223, %swap3A_224, %swap3A_225], %swap3A_228 {strides = array<i32>} : memref<2x200x32xf32, #tpu.memory_space<vmem>>, vector<1x1x16xf32>,
      }
      %scan3A_165 = arith.constant 200 : i32
      %add3A_166 = arith.constant 1 : i32
      %add3A_167 = arith.addi %add3A_81, %add3A_166 : i32
      %add3A_168 = arith.addi %mul3A_2, %add3A_167 : i32
      %mul3A_169 = arith.constant 200 : i32
      %mul3A_170 = arith.muli %add3A_168, %mul3A_169 : i32
      %dma_start3A_171 = arith.constant 1 : i32
      %dma_start3A_172 = arith.constant 1 : i32
      %dma_start3A_173 = arith.constant 0 : i32
      %dma_start3A_174 = arith.constant 0 : i32
      %dma_start3A_175 = tpu.memref_slice %arg5[%dma_start3A_171, %dma_start3A_173, %dma_start3A_174] : memref<2x200x32xf32, #tpu.memory_space<vmem>> -> memref<1x200x32xf32, #tpu.memory_space<vmem>>
      %dma_start3A_176 = tpu.memref_squeeze %dma_start3A_175 : memref<1x200x32xf32, #tpu.memory_space<vmem>> -> memref<200x32xf32, #tpu.memory_space<vmem>>
      %dma_start3A_177 = arith.constant 0 : i32
      %dma_start3A_178 = tpu.memref_slice %arg3[%mul3A_170, %dma_start3A_177] : memref<819200x32xf32, #tpu.memory_space<hbm>> -> memref<200x32xf32, #tpu.memory_space<hbm>>
      %dma_start3A_179 = tpu.memref_slice %arg7[%dma_start3A_172] : memref<2x!tpu.dma_semaphore, #tpu.memory_space<semaphore_mem>> -> memref<1x!tpu.dma_semaphore, #tpu.memory_space<semaphore_mem>>
      %dma_start3A_180 = tpu.memref_squeeze %dma_start3A_179 : memref<1x!tpu.dma_semaphore, #tpu.memory_space<semaphore_mem>> -> memref<!tpu.dma_semaphore, #tpu.memory_space<semaphore_mem>>
      %dma_start3A_181 = arith.constant 0 : i32
      %dma_start3A_182 = tpu.memref_slice %arg3[%mul3A_170, %dma_start3A_181] : memref<819200x32xf32, #tpu.memory_space<hbm>> -> memref<200x32xf32, #tpu.memory_space<hbm>>
      %dma_start3A_183 = arith.constant 0 : i32
      %dma_start3A_184 = arith.constant 0 : i32
      %dma_start3A_185 = tpu.memref_slice %arg5[%dma_start3A_171, %dma_start3A_183, %dma_start3A_184] : memref<2x200x32xf32, #tpu.memory_space<vmem>> -> memref<1x200x32xf32, #tpu.memory_space<vmem>>
      %dma_start3A_186 = tpu.memref_squeeze %dma_start3A_185 : memref<1x200x32xf32, #tpu.memory_space<vmem>> -> memref<200x32xf32, #tpu.memory_space<vmem>>
      tpu.enqueue_dma source(%dma_start3A_186 : memref<200x32xf32, #tpu.memory_space<vmem>>) target(%dma_start3A_182 : memref<200x32xf32, #tpu.memory_space<hbm>>) target_semaphore(%dma_start3A_180 : memref<!tpu.dma_semaphore, #tpu.memory_space<semaphore_mem>>)
      %add3A_187 = arith.constant 1 : i32
      %add3A_188 = arith.addi %add3A_81, %add3A_187 : i32
      %add3A_189 = arith.constant 2 : i32
      %add3A_190 = arith.addi %add3A_188, %add3A_189 : i32
      %lt3A_191 = arith.constant 128 : i32
      %lt3A_192 = arith.cmpi slt, %add3A_190, %lt3A_191 : i32
      %convert_element_type3A_193 = arith.extui %lt3A_192 : i1 to i32
      %cond3A_194 = arith.constant 0 : i32
      %cond3A_195 = arith.cmpi ne, %convert_element_type3A_193, %cond3A_194 : i32
      scf.if %cond3A_195 {
        %add3A_196 = arith.constant 1 : i32
        %add3A_197 = arith.addi %add3A_81, %add3A_196 : i32
        %add3A_198 = arith.constant 2 : i32
        %add3A_199 = arith.addi %add3A_197, %add3A_198 : i32
        %add3A_200 = arith.addi %mul3A_2, %add3A_199 : i32
        %mul3A_201 = arith.constant 6400 : i32
        %mul3A_202 = arith.muli %add3A_200, %mul3A_201 : i32
        %dma_start3A_203 = arith.constant 1 : i32
        %dma_start3A_204 = arith.constant 1 : i32
        %dma_start3A_205 = arith.constant 0 : i32
        %dma_start3A_206 = tpu.memref_slice %arg4[%dma_start3A_203, %dma_start3A_205] : memref<2x6400xf32, #tpu.memory_space<vmem>> -> memref<1x6400xf32, #tpu.memory_space<vmem>>
        %dma_start3A_207 = tpu.memref_squeeze %dma_start3A_206 : memref<1x6400xf32, #tpu.memory_space<vmem>> -> memref<6400xf32, #tpu.memory_space<vmem>>
        %dma_start3A_208 = tpu.memref_slice %arg2[%mul3A_202] : memref<26214400xf32, #tpu.memory_space<hbm>> -> memref<6400xf32, #tpu.memory_space<hbm>>
        %dma_start3A_209 = tpu.memref_slice %arg6[%dma_start3A_204] : memref<2x!tpu.dma_semaphore, #tpu.memory_space<semaphore_mem>> -> memref<1x!tpu.dma_semaphore, #tpu.memory_space<semaphore_mem>>
        %dma_start3A_210 = tpu.memref_squeeze %dma_start3A_209 : memref<1x!tpu.dma_semaphore, #tpu.memory_space<semaphore_mem>> -> memref<!tpu.dma_semaphore, #tpu.memory_space<semaphore_mem>>
        %dma_start3A_211 = arith.constant 0 : i32
        %dma_start3A_212 = tpu.memref_slice %arg4[%dma_start3A_203, %dma_start3A_211] : memref<2x6400xf32, #tpu.memory_space<vmem>> -> memref<1x6400xf32, #tpu.memory_space<vmem>>
        %dma_start3A_213 = tpu.memref_squeeze %dma_start3A_212 : memref<1x6400xf32, #tpu.memory_space<vmem>> -> memref<6400xf32, #tpu.memory_space<vmem>>
        %dma_start3A_214 = tpu.memref_slice %arg2[%mul3A_202] : memref<26214400xf32, #tpu.memory_space<hbm>> -> memref<6400xf32, #tpu.memory_space<hbm>>
        tpu.enqueue_dma source(%dma_start3A_214 : memref<6400xf32, #tpu.memory_space<hbm>>) target(%dma_start3A_213 : memref<6400xf32, #tpu.memory_space<vmem>>) target_semaphore(%dma_start3A_210 : memref<!tpu.dma_semaphore, #tpu.memory_space<semaphore_mem>>)
      } else {
      }
    }
    %scan3A_37 = arith.constant 64 : i32
    %add3A_38 = arith.constant 126 : i32
    %add3A_39 = arith.addi %mul3A_2, %add3A_38 : i32
    %mul3A_40 = arith.constant 200 : i32
    %mul3A_41 = arith.muli %add3A_39, %mul3A_40 : i32
    %dma_wait3A = arith.constant 0 : i32
    %dma_wait3A_42 = arith.constant 0 : i32
    %dma_wait3A_43 = arith.constant 0 : i32
    %dma_wait3A_44 = arith.constant 0 : i32
    %dma_wait3A_45 = tpu.memref_slice %arg5[%dma_wait3A, %dma_wait3A_43, %dma_wait3A_44] : memref<2x200x32xf32, #tpu.memory_space<vmem>> -> memref<1x200x32xf32, #tpu.memory_space<vmem>>
    %dma_wait3A_46 = tpu.memref_squeeze %dma_wait3A_45 : memref<1x200x32xf32, #tpu.memory_space<vmem>> -> memref<200x32xf32, #tpu.memory_space<vmem>>
    %dma_wait3A_47 = arith.constant 0 : i32
    %dma_wait3A_48 = tpu.memref_slice %arg3[%mul3A_41, %dma_wait3A_47] : memref<819200x32xf32, #tpu.memory_space<hbm>> -> memref<200x32xf32, #tpu.memory_space<hbm>>
    %dma_wait3A_49 = tpu.memref_slice %arg7[%dma_wait3A_42] : memref<2x!tpu.dma_semaphore, #tpu.memory_space<semaphore_mem>> -> memref<1x!tpu.dma_semaphore, #tpu.memory_space<semaphore_mem>>
    %dma_wait3A_50 = tpu.memref_squeeze %dma_wait3A_49 : memref<1x!tpu.dma_semaphore, #tpu.memory_space<semaphore_mem>> -> memref<!tpu.dma_semaphore, #tpu.memory_space<semaphore_mem>>
    %dma_wait3A_51 = arith.constant 0 : i32
    %dma_wait3A_52 = tpu.memref_slice %arg3[%mul3A_41, %dma_wait3A_51] : memref<819200x32xf32, #tpu.memory_space<hbm>> -> memref<200x32xf32, #tpu.memory_space<hbm>>
    %dma_wait3A_53 = arith.constant 0 : i32
    %dma_wait3A_54 = arith.constant 0 : i32
    %dma_wait3A_55 = tpu.memref_slice %arg5[%dma_wait3A, %dma_wait3A_53, %dma_wait3A_54] : memref<2x200x32xf32, #tpu.memory_space<vmem>> -> memref<1x200x32xf32, #tpu.memory_space<vmem>>
    %dma_wait3A_56 = tpu.memref_squeeze %dma_wait3A_55 : memref<1x200x32xf32, #tpu.memory_space<vmem>> -> memref<200x32xf32, #tpu.memory_space<vmem>>
    tpu.wait_dma2 semaphore(%dma_wait3A_50 : memref<!tpu.dma_semaphore, #tpu.memory_space<semaphore_mem>>) src(%dma_wait3A_56 : memref<200x32xf32, #tpu.memory_space<vmem>>) dst(%dma_wait3A_52 : memref<200x32xf32, #tpu.memory_space<hbm>>)
    %add3A_57 = arith.constant 127 : i32
    %add3A_58 = arith.addi %mul3A_2, %add3A_57 : i32
    %mul3A_59 = arith.constant 200 : i32
    %mul3A_60 = arith.muli %add3A_58, %mul3A_59 : i32
    %dma_wait3A_61 = arith.constant 1 : i32
    %dma_wait3A_62 = arith.constant 1 : i32
    %dma_wait3A_63 = arith.constant 0 : i32
    %dma_wait3A_64 = arith.constant 0 : i32
    %dma_wait3A_65 = tpu.memref_slice %arg5[%dma_wait3A_61, %dma_wait3A_63, %dma_wait3A_64] : memref<2x200x32xf32, #tpu.memory_space<vmem>> -> memref<1x200x32xf32, #tpu.memory_space<vmem>>
    %dma_wait3A_66 = tpu.memref_squeeze %dma_wait3A_65 : memref<1x200x32xf32, #tpu.memory_space<vmem>> -> memref<200x32xf32, #tpu.memory_space<vmem>>
    %dma_wait3A_67 = arith.constant 0 : i32
    %dma_wait3A_68 = tpu.memref_slice %arg3[%mul3A_60, %dma_wait3A_67] : memref<819200x32xf32, #tpu.memory_space<hbm>> -> memref<200x32xf32, #tpu.memory_space<hbm>>
    %dma_wait3A_69 = tpu.memref_slice %arg7[%dma_wait3A_62] : memref<2x!tpu.dma_semaphore, #tpu.memory_space<semaphore_mem>> -> memref<1x!tpu.dma_semaphore, #tpu.memory_space<semaphore_mem>>
    %dma_wait3A_70 = tpu.memref_squeeze %dma_wait3A_69 : memref<1x!tpu.dma_semaphore, #tpu.memory_space<semaphore_mem>> -> memref<!tpu.dma_semaphore, #tpu.memory_space<semaphore_mem>>
    %dma_wait3A_71 = arith.constant 0 : i32
    %dma_wait3A_72 = tpu.memref_slice %arg3[%mul3A_60, %dma_wait3A_71] : memref<819200x32xf32, #tpu.memory_space<hbm>> -> memref<200x32xf32, #tpu.memory_space<hbm>>
    %dma_wait3A_73 = arith.constant 0 : i32
    %dma_wait3A_74 = arith.constant 0 : i32
    %dma_wait3A_75 = tpu.memref_slice %arg5[%dma_wait3A_61, %dma_wait3A_73, %dma_wait3A_74] : memref<2x200x32xf32, #tpu.memory_space<vmem>> -> memref<1x200x32xf32, #tpu.memory_space<vmem>>
    %dma_wait3A_76 = tpu.memref_squeeze %dma_wait3A_75 : memref<1x200x32xf32, #tpu.memory_space<vmem>> -> memref<200x32xf32, #tpu.memory_space<vmem>>
    tpu.wait_dma2 semaphore(%dma_wait3A_70 : memref<!tpu.dma_semaphore, #tpu.memory_space<semaphore_mem>>) src(%dma_wait3A_76 : memref<200x32xf32, #tpu.memory_space<vmem>>) dst(%dma_wait3A_72 : memref<200x32xf32, #tpu.memory_space<hbm>>)
    return
  }
}

#map = affine_map<(d0, d1) -> (0, 0)>
#map1 = affine_map<(d0, d1) -> (0)>
module attributes {stable_mosaic.version = 14 : i64} {
  func.func @flatten_kernel(%arg0: i32, %arg1: i32, %arg2: memref<4096x200xi32, #tpu.memory_space<hbm>>, %arg3: memref<819200xi32, #tpu.memory_space<hbm>>, %arg4: memref<128x200xi32, #tpu.memory_space<vmem>>, %arg5: memref<25600xi32, #tpu.memory_space<vmem>>) attributes {dimension_semantics = [#tpu.dimension_semantics<core_parallel>, #tpu.dimension_semantics<subcore_parallel>], iteration_bounds = array<i64: 2, 16>, scalar_prefetch = 0 : i64, scratch_operands = 2 : i64, tpu.core_type = #tpu.core_type<sc_vector_subcore>, window_params = [{transform_indices = #map}, {transform_indices = #map1}]} {
    %mul3A = arith.constant 2 : i32
    %mul3A_0 = arith.muli %arg1, %mul3A : i32
    %add3A = arith.addi %mul3A_0, %arg0 : i32
    %mul3A_1 = arith.constant 128 : i32
    %mul3A_2 = arith.muli %add3A, %mul3A_1 : i32
    "tpu.region"() ({
      %run_scoped3A = tpu.sem_alloc : memref<!tpu.dma_semaphore, #tpu.memory_space<semaphore_mem>>
      %dma_start3A = arith.constant 0 : i32
      %dma_start3A_9 = tpu.memref_slice %arg2[%mul3A_2, %dma_start3A] : memref<4096x200xi32, #tpu.memory_space<hbm>> -> memref<128x200xi32, #tpu.memory_space<hbm>>
      %dma_start3A_10 = arith.constant 0 : i32
      %dma_start3A_11 = tpu.memref_slice %arg2[%mul3A_2, %dma_start3A_10] : memref<4096x200xi32, #tpu.memory_space<hbm>> -> memref<128x200xi32, #tpu.memory_space<hbm>>
      tpu.enqueue_dma source(%dma_start3A_11 : memref<128x200xi32, #tpu.memory_space<hbm>>) target(%arg4 : memref<128x200xi32, #tpu.memory_space<vmem>>) target_semaphore(%run_scoped3A : memref<!tpu.dma_semaphore, #tpu.memory_space<semaphore_mem>>)
      %dma_wait3A = arith.constant 0 : i32
      %dma_wait3A_12 = tpu.memref_slice %arg2[%mul3A_2, %dma_wait3A] : memref<4096x200xi32, #tpu.memory_space<hbm>> -> memref<128x200xi32, #tpu.memory_space<hbm>>
      %dma_wait3A_13 = arith.constant 0 : i32
      %dma_wait3A_14 = tpu.memref_slice %arg2[%mul3A_2, %dma_wait3A_13] : memref<4096x200xi32, #tpu.memory_space<hbm>> -> memref<128x200xi32, #tpu.memory_space<hbm>>
      tpu.wait_dma2 semaphore(%run_scoped3A : memref<!tpu.dma_semaphore, #tpu.memory_space<semaphore_mem>>) src(%dma_wait3A_14 : memref<128x200xi32, #tpu.memory_space<hbm>>) dst(%arg4 : memref<128x200xi32, #tpu.memory_space<vmem>>)
      tpu.yield
    }) : () -> ()
    %scan3A = arith.constant 0 : i32
    %scan3A_3 = arith.constant 128 : i32
    %scan3A_4 = arith.addi %scan3A, %scan3A_3 : i32
    %scan3A_5 = arith.constant 1 : i32
    scf.for %scan3A_9 = %scan3A to %scan3A_4 step %scan3A_5  : i32 {
      %mul3A_10 = arith.constant 1 : i32
      %mul3A_11 = arith.muli %scan3A_9, %mul3A_10 : i32
      %add3A_12 = arith.constant 0 : i32
      %add3A_13 = arith.addi %add3A_12, %mul3A_11 : i32
      %mul3A_14 = arith.constant 200 : i32
      %mul3A_15 = arith.muli %mul3A_14, %add3A_13 : i32
      %multiple_of3A = tpu.assume_multiple %mul3A_15, 8 : i32
      %get3A = arith.index_cast %add3A_13 : i32 to index
      %get3A_16 = arith.constant 0 : index
      %get3A_17 = tpu.vector_load %arg4[%get3A, %get3A_16] {strides = array<i32>} : memref<128x200xi32, #tpu.memory_space<vmem>>, vector<1x16xi32>,
      %get3A_18 = vector.shape_cast %get3A_17 : vector<1x16xi32> to vector<16xi32>
      %add3A_19 = arith.constant 0 : i32
      %add3A_20 = arith.addi %multiple_of3A, %add3A_19 : i32
      %swap3A = arith.index_cast %add3A_20 : i32 to index
      %swap3A_21 = tpu.vector_load %arg5[%swap3A] {strides = array<i32>} : memref<25600xi32, #tpu.memory_space<vmem>>, vector<16xi32>,
      %swap3A_22 = vector.shape_cast %swap3A_21 : vector<16xi32> to vector<16xi32>
      %swap3A_23 = vector.shape_cast %get3A_18 : vector<16xi32> to vector<16xi32>
      tpu.vector_store %arg5[%swap3A], %swap3A_23 {strides = array<i32>} : memref<25600xi32, #tpu.memory_space<vmem>>, vector<16xi32>,
      %get3A_24 = arith.index_cast %add3A_13 : i32 to index
      %get3A_25 = arith.constant 16 : index
      %get3A_26 = tpu.vector_load %arg4[%get3A_24, %get3A_25] {strides = array<i32>} : memref<128x200xi32, #tpu.memory_space<vmem>>, vector<1x16xi32>,
      %get3A_27 = vector.shape_cast %get3A_26 : vector<1x16xi32> to vector<16xi32>
      %add3A_28 = arith.constant 16 : i32
      %add3A_29 = arith.addi %multiple_of3A, %add3A_28 : i32
      %swap3A_30 = arith.index_cast %add3A_29 : i32 to index
      %swap3A_31 = tpu.vector_load %arg5[%swap3A_30] {strides = array<i32>} : memref<25600xi32, #tpu.memory_space<vmem>>, vector<16xi32>,
      %swap3A_32 = vector.shape_cast %swap3A_31 : vector<16xi32> to vector<16xi32>
      %swap3A_33 = vector.shape_cast %get3A_27 : vector<16xi32> to vector<16xi32>
      tpu.vector_store %arg5[%swap3A_30], %swap3A_33 {strides = array<i32>} : memref<25600xi32, #tpu.memory_space<vmem>>, vector<16xi32>,
      %get3A_34 = arith.index_cast %add3A_13 : i32 to index
      %get3A_35 = arith.constant 32 : index
      %get3A_36 = tpu.vector_load %arg4[%get3A_34, %get3A_35] {strides = array<i32>} : memref<128x200xi32, #tpu.memory_space<vmem>>, vector<1x16xi32>,
      %get3A_37 = vector.shape_cast %get3A_36 : vector<1x16xi32> to vector<16xi32>
      %add3A_38 = arith.constant 32 : i32
      %add3A_39 = arith.addi %multiple_of3A, %add3A_38 : i32
      %swap3A_40 = arith.index_cast %add3A_39 : i32 to index
      %swap3A_41 = tpu.vector_load %arg5[%swap3A_40] {strides = array<i32>} : memref<25600xi32, #tpu.memory_space<vmem>>, vector<16xi32>,
      %swap3A_42 = vector.shape_cast %swap3A_41 : vector<16xi32> to vector<16xi32>
      %swap3A_43 = vector.shape_cast %get3A_37 : vector<16xi32> to vector<16xi32>
      tpu.vector_store %arg5[%swap3A_40], %swap3A_43 {strides = array<i32>} : memref<25600xi32, #tpu.memory_space<vmem>>, vector<16xi32>,
      %get3A_44 = arith.index_cast %add3A_13 : i32 to index
      %get3A_45 = arith.constant 48 : index
      %get3A_46 = tpu.vector_load %arg4[%get3A_44, %get3A_45] {strides = array<i32>} : memref<128x200xi32, #tpu.memory_space<vmem>>, vector<1x16xi32>,
      %get3A_47 = vector.shape_cast %get3A_46 : vector<1x16xi32> to vector<16xi32>
      %add3A_48 = arith.constant 48 : i32
      %add3A_49 = arith.addi %multiple_of3A, %add3A_48 : i32
      %swap3A_50 = arith.index_cast %add3A_49 : i32 to index
      %swap3A_51 = tpu.vector_load %arg5[%swap3A_50] {strides = array<i32>} : memref<25600xi32, #tpu.memory_space<vmem>>, vector<16xi32>,
      %swap3A_52 = vector.shape_cast %swap3A_51 : vector<16xi32> to vector<16xi32>
      %swap3A_53 = vector.shape_cast %get3A_47 : vector<16xi32> to vector<16xi32>
      tpu.vector_store %arg5[%swap3A_50], %swap3A_53 {strides = array<i32>} : memref<25600xi32, #tpu.memory_space<vmem>>, vector<16xi32>,
      %get3A_54 = arith.index_cast %add3A_13 : i32 to index
      %get3A_55 = arith.constant 64 : index
      %get3A_56 = tpu.vector_load %arg4[%get3A_54, %get3A_55] {strides = array<i32>} : memref<128x200xi32, #tpu.memory_space<vmem>>, vector<1x16xi32>,
      %get3A_57 = vector.shape_cast %get3A_56 : vector<1x16xi32> to vector<16xi32>
      %add3A_58 = arith.constant 64 : i32
      %add3A_59 = arith.addi %multiple_of3A, %add3A_58 : i32
      %swap3A_60 = arith.index_cast %add3A_59 : i32 to index
      %swap3A_61 = tpu.vector_load %arg5[%swap3A_60] {strides = array<i32>} : memref<25600xi32, #tpu.memory_space<vmem>>, vector<16xi32>,
      %swap3A_62 = vector.shape_cast %swap3A_61 : vector<16xi32> to vector<16xi32>
      %swap3A_63 = vector.shape_cast %get3A_57 : vector<16xi32> to vector<16xi32>
      tpu.vector_store %arg5[%swap3A_60], %swap3A_63 {strides = array<i32>} : memref<25600xi32, #tpu.memory_space<vmem>>, vector<16xi32>,
      %get3A_64 = arith.index_cast %add3A_13 : i32 to index
      %get3A_65 = arith.constant 80 : index
      %get3A_66 = tpu.vector_load %arg4[%get3A_64, %get3A_65] {strides = array<i32>} : memref<128x200xi32, #tpu.memory_space<vmem>>, vector<1x16xi32>,
      %get3A_67 = vector.shape_cast %get3A_66 : vector<1x16xi32> to vector<16xi32>
      %add3A_68 = arith.constant 80 : i32
      %add3A_69 = arith.addi %multiple_of3A, %add3A_68 : i32
      %swap3A_70 = arith.index_cast %add3A_69 : i32 to index
      %swap3A_71 = tpu.vector_load %arg5[%swap3A_70] {strides = array<i32>} : memref<25600xi32, #tpu.memory_space<vmem>>, vector<16xi32>,
      %swap3A_72 = vector.shape_cast %swap3A_71 : vector<16xi32> to vector<16xi32>
      %swap3A_73 = vector.shape_cast %get3A_67 : vector<16xi32> to vector<16xi32>
      tpu.vector_store %arg5[%swap3A_70], %swap3A_73 {strides = array<i32>} : memref<25600xi32, #tpu.memory_space<vmem>>, vector<16xi32>,
      %get3A_74 = arith.index_cast %add3A_13 : i32 to index
      %get3A_75 = arith.constant 96 : index
      %get3A_76 = tpu.vector_load %arg4[%get3A_74, %get3A_75] {strides = array<i32>} : memref<128x200xi32, #tpu.memory_space<vmem>>, vector<1x16xi32>,
      %get3A_77 = vector.shape_cast %get3A_76 : vector<1x16xi32> to vector<16xi32>
      %add3A_78 = arith.constant 96 : i32
      %add3A_79 = arith.addi %multiple_of3A, %add3A_78 : i32
      %swap3A_80 = arith.index_cast %add3A_79 : i32 to index
      %swap3A_81 = tpu.vector_load %arg5[%swap3A_80] {strides = array<i32>} : memref<25600xi32, #tpu.memory_space<vmem>>, vector<16xi32>,
      %swap3A_82 = vector.shape_cast %swap3A_81 : vector<16xi32> to vector<16xi32>
      %swap3A_83 = vector.shape_cast %get3A_77 : vector<16xi32> to vector<16xi32>
      tpu.vector_store %arg5[%swap3A_80], %swap3A_83 {strides = array<i32>} : memref<25600xi32, #tpu.memory_space<vmem>>, vector<16xi32>,
      %get3A_84 = arith.index_cast %add3A_13 : i32 to index
      %get3A_85 = arith.constant 112 : index
      %get3A_86 = tpu.vector_load %arg4[%get3A_84, %get3A_85] {strides = array<i32>} : memref<128x200xi32, #tpu.memory_space<vmem>>, vector<1x16xi32>,
      %get3A_87 = vector.shape_cast %get3A_86 : vector<1x16xi32> to vector<16xi32>
      %add3A_88 = arith.constant 112 : i32
      %add3A_89 = arith.addi %multiple_of3A, %add3A_88 : i32
      %swap3A_90 = arith.index_cast %add3A_89 : i32 to index
      %swap3A_91 = tpu.vector_load %arg5[%swap3A_90] {strides = array<i32>} : memref<25600xi32, #tpu.memory_space<vmem>>, vector<16xi32>,
      %swap3A_92 = vector.shape_cast %swap3A_91 : vector<16xi32> to vector<16xi32>
      %swap3A_93 = vector.shape_cast %get3A_87 : vector<16xi32> to vector<16xi32>
      tpu.vector_store %arg5[%swap3A_90], %swap3A_93 {strides = array<i32>} : memref<25600xi32, #tpu.memory_space<vmem>>, vector<16xi32>,
      %get3A_94 = arith.index_cast %add3A_13 : i32 to index
      %get3A_95 = arith.constant 128 : index
      %get3A_96 = tpu.vector_load %arg4[%get3A_94, %get3A_95] {strides = array<i32>} : memref<128x200xi32, #tpu.memory_space<vmem>>, vector<1x16xi32>,
      %get3A_97 = vector.shape_cast %get3A_96 : vector<1x16xi32> to vector<16xi32>
      %add3A_98 = arith.constant 128 : i32
      %add3A_99 = arith.addi %multiple_of3A, %add3A_98 : i32
      %swap3A_100 = arith.index_cast %add3A_99 : i32 to index
      %swap3A_101 = tpu.vector_load %arg5[%swap3A_100] {strides = array<i32>} : memref<25600xi32, #tpu.memory_space<vmem>>, vector<16xi32>,
      %swap3A_102 = vector.shape_cast %swap3A_101 : vector<16xi32> to vector<16xi32>
      %swap3A_103 = vector.shape_cast %get3A_97 : vector<16xi32> to vector<16xi32>
      tpu.vector_store %arg5[%swap3A_100], %swap3A_103 {strides = array<i32>} : memref<25600xi32, #tpu.memory_space<vmem>>, vector<16xi32>,
      %get3A_104 = arith.index_cast %add3A_13 : i32 to index
      %get3A_105 = arith.constant 144 : index
      %get3A_106 = tpu.vector_load %arg4[%get3A_104, %get3A_105] {strides = array<i32>} : memref<128x200xi32, #tpu.memory_space<vmem>>, vector<1x16xi32>,
      %get3A_107 = vector.shape_cast %get3A_106 : vector<1x16xi32> to vector<16xi32>
      %add3A_108 = arith.constant 144 : i32
      %add3A_109 = arith.addi %multiple_of3A, %add3A_108 : i32
      %swap3A_110 = arith.index_cast %add3A_109 : i32 to index
      %swap3A_111 = tpu.vector_load %arg5[%swap3A_110] {strides = array<i32>} : memref<25600xi32, #tpu.memory_space<vmem>>, vector<16xi32>,
      %swap3A_112 = vector.shape_cast %swap3A_111 : vector<16xi32> to vector<16xi32>
      %swap3A_113 = vector.shape_cast %get3A_107 : vector<16xi32> to vector<16xi32>
      tpu.vector_store %arg5[%swap3A_110], %swap3A_113 {strides = array<i32>} : memref<25600xi32, #tpu.memory_space<vmem>>, vector<16xi32>,
      %get3A_114 = arith.index_cast %add3A_13 : i32 to index
      %get3A_115 = arith.constant 160 : index
      %get3A_116 = tpu.vector_load %arg4[%get3A_114, %get3A_115] {strides = array<i32>} : memref<128x200xi32, #tpu.memory_space<vmem>>, vector<1x16xi32>,
      %get3A_117 = vector.shape_cast %get3A_116 : vector<1x16xi32> to vector<16xi32>
      %add3A_118 = arith.constant 160 : i32
      %add3A_119 = arith.addi %multiple_of3A, %add3A_118 : i32
      %swap3A_120 = arith.index_cast %add3A_119 : i32 to index
      %swap3A_121 = tpu.vector_load %arg5[%swap3A_120] {strides = array<i32>} : memref<25600xi32, #tpu.memory_space<vmem>>, vector<16xi32>,
      %swap3A_122 = vector.shape_cast %swap3A_121 : vector<16xi32> to vector<16xi32>
      %swap3A_123 = vector.shape_cast %get3A_117 : vector<16xi32> to vector<16xi32>
      tpu.vector_store %arg5[%swap3A_120], %swap3A_123 {strides = array<i32>} : memref<25600xi32, #tpu.memory_space<vmem>>, vector<16xi32>,
      %get3A_124 = arith.index_cast %add3A_13 : i32 to index
      %get3A_125 = arith.constant 176 : index
      %get3A_126 = tpu.vector_load %arg4[%get3A_124, %get3A_125] {strides = array<i32>} : memref<128x200xi32, #tpu.memory_space<vmem>>, vector<1x16xi32>,
      %get3A_127 = vector.shape_cast %get3A_126 : vector<1x16xi32> to vector<16xi32>
      %add3A_128 = arith.constant 176 : i32
      %add3A_129 = arith.addi %multiple_of3A, %add3A_128 : i32
      %swap3A_130 = arith.index_cast %add3A_129 : i32 to index
      %swap3A_131 = tpu.vector_load %arg5[%swap3A_130] {strides = array<i32>} : memref<25600xi32, #tpu.memory_space<vmem>>, vector<16xi32>,
      %swap3A_132 = vector.shape_cast %swap3A_131 : vector<16xi32> to vector<16xi32>
      %swap3A_133 = vector.shape_cast %get3A_127 : vector<16xi32> to vector<16xi32>
      tpu.vector_store %arg5[%swap3A_130], %swap3A_133 {strides = array<i32>} : memref<25600xi32, #tpu.memory_space<vmem>>, vector<16xi32>,
      %get3A_134 = arith.index_cast %add3A_13 : i32 to index
      %get3A_135 = arith.constant 184 : index
      %get3A_136 = tpu.vector_load %arg4[%get3A_134, %get3A_135] {strides = array<i32>} : memref<128x200xi32, #tpu.memory_space<vmem>>, vector<1x16xi32>,
      %get3A_137 = vector.shape_cast %get3A_136 : vector<1x16xi32> to vector<16xi32>
      %add3A_138 = arith.constant 184 : i32
      %add3A_139 = arith.addi %multiple_of3A, %add3A_138 : i32
      %swap3A_140 = arith.index_cast %add3A_139 : i32 to index
      %swap3A_141 = tpu.vector_load %arg5[%swap3A_140] {strides = array<i32>} : memref<25600xi32, #tpu.memory_space<vmem>>, vector<16xi32>,
      %swap3A_142 = vector.shape_cast %swap3A_141 : vector<16xi32> to vector<16xi32>
      %swap3A_143 = vector.shape_cast %get3A_137 : vector<16xi32> to vector<16xi32>
      tpu.vector_store %arg5[%swap3A_140], %swap3A_143 {strides = array<i32>} : memref<25600xi32, #tpu.memory_space<vmem>>, vector<16xi32>,
    }
    %scan3A_6 = arith.constant 128 : i32
    %mul3A_7 = arith.constant 25600 : i32
    %mul3A_8 = arith.muli %add3A, %mul3A_7 : i32
    "tpu.region"() ({
      %run_scoped3A = tpu.sem_alloc : memref<!tpu.dma_semaphore, #tpu.memory_space<semaphore_mem>>
      %dma_start3A = tpu.memref_slice %arg3[%mul3A_8] : memref<819200xi32, #tpu.memory_space<hbm>> -> memref<25600xi32, #tpu.memory_space<hbm>>
      %dma_start3A_9 = tpu.memref_slice %arg3[%mul3A_8] : memref<819200xi32, #tpu.memory_space<hbm>> -> memref<25600xi32, #tpu.memory_space<hbm>>
      tpu.enqueue_dma source(%arg5 : memref<25600xi32, #tpu.memory_space<vmem>>) target(%dma_start3A_9 : memref<25600xi32, #tpu.memory_space<hbm>>) target_semaphore(%run_scoped3A : memref<!tpu.dma_semaphore, #tpu.memory_space<semaphore_mem>>)
      %dma_wait3A = tpu.memref_slice %arg3[%mul3A_8] : memref<819200xi32, #tpu.memory_space<hbm>> -> memref<25600xi32, #tpu.memory_space<hbm>>
      %dma_wait3A_10 = tpu.memref_slice %arg3[%mul3A_8] : memref<819200xi32, #tpu.memory_space<hbm>> -> memref<25600xi32, #tpu.memory_space<hbm>>
      tpu.wait_dma2 semaphore(%run_scoped3A : memref<!tpu.dma_semaphore, #tpu.memory_space<semaphore_mem>>) src(%arg5 : memref<25600xi32, #tpu.memory_space<vmem>>) dst(%dma_wait3A_10 : memref<25600xi32, #tpu.memory_space<hbm>>)
      tpu.yield
    }) : () -> ()
    return
  }
}

</mosaic_0001>

<sc_bundles>
// kernel: kernel.11.cloned.1.call-start
scs
__scs_entry_jumppad:
0x0: {  	(pc) =	sbr.rel $0x88, $3  }
0x1: {  	(tag) =	ssettag $0x0;
	lr =	simm.s32 $0x1  }
0x2: {  	[smem:$0x3F9F] =	sst lr;
	_ =	strace $0xD0000000  }
0x3: {  	_ = 	snop  }
0x4: {  	_ = 	snop  }
0x5: {  	_ = 	snop  }
0x6: {  	_ = 	snop  }
0x7: {  	_ = 	snop  }
__scs_overlays_trampoline_lowered:
0x8: {  	[smem:$0x3FAE] =	sst s0  }
0x9: {  	[smem:$0x3FAF] =	sst s1  }
0xa: {  	[smem:$0x3FB0] =	sst s2  }
0xb: {  	[smem:$0x3FB1] =	sst s3  }
0xc: {  	[smem:$0x3FB2] =	sst s4  }
0xd: {  	[smem:$0x3FB3] =	sst s5  }
0xe: {  	[smem:$0x3FB4] =	sst s6  }
0xf: {  	[smem:$0x3FB5] =	sst s7  }
0x10: {  	[smem:$0x3FB6] =	sst s8  }
0x11: {  	[smem:$0x3FB7] =	sst s9;
	s0 =	simm.s32 @!p0 $0x0  }
0x12: {  	s1 =	sld [smem:$0x3F9D];
	s0 =	simm.s32 @p0 $0x1  }
0x13: {  	[smem:$0x3FB8] =	sst s0;
	s0 =	simm.s32 @!p1 $0x0  }
0x14: {  	s2 =	sld [smem:$0x3F9C];
	s0 =	simm.s32 @p1 $0x1  }
0x15: {  	[smem:$0x3FB9] =	sst s0;
	s0 =	simm.s32 @!p2 $0x0  }
0x16: {  	s3 =	sld [smem:$0x3FDB];
	s0 =	simm.s32 @p2 $0x1  }
0x17: {  	s4 =	simm.s32 $0x1BF5;
	[smem:$0x3FBB] =	sst s0  }
0x18: {  	s0 =	sld [smem:$0x3F9E];
	_ =	swait.ge [sflag:s4], $0x0  }
0x19: {  	s7 =	sld [smem:$0x3F9F]  }
0x1a: {  	s8 =	sadd.s32 $0xFFFFE003, lr  }
0x1b: {  	s9 =	sadd.s32 $0xFFFFFEF7, lr;
	s5 =	simm.s32 $0xFFFFFFFF;
	p2 =	slt.u32 s8, $0xFFFFF086  }
0x1c: {  	p1 =	slt.u32 s9, $0xF7A;
	s5 =	simm.s32 @!p2 $0x0  }
0x1d: {  	s5 =	simm.s32 @p1 $0x1;
	p0 =	seq.s32 s7, s2  }
0x1e: {  	s7 =	smul.u32 @!p0 $0xF7A, s2;
	p2 =	seq.s32 @!p0 s5, $0x0  }
0x1f: {  	s9 =	smul.u32 $0xF7A, s1;
	s8 =	simm.s32 @!p0 $0x1BF5;
	p2 =	por !p2, p0  }
0x20: {  	[sflag:s8] =	ssyncset.s32 @!p0 $0xFFFFF086;
	s6 =	sadd.s32 @!p0 s3, s7;
	s7 =	simm.s32 @!p0 $0x108  }
0x21: {  	s3 =	sadd.s32 s3, s9;
	s6 =	sadd.s32 @!p0 $0x88, s6;
	s7 =	simm.s32 @p2 $0x1082  }
0x22: {  	[simem:s7], [sflag:s8] =	dma.local @!p0 [hbm:s6], $0xF7A  }
0x23: {  	s9 =	sor.u32 $0xD0000000, s2;
	s6 =	simm.s32 $0x108;
	_ =	swait.ge @!p0 [sflag:s8], $0x0  }
0x24: {  	s3 =	sadd.s32 $0x88, s3;
	s6 =	simm.s32 @!p1 $0x1082;
	[sflag:s4] =	ssyncset.s32 $0xFFFFF086  }
0x25: {  	[simem:s6], [sflag:s4] =	dma.local [hbm:s3], $0xF7A  }
0x26: {  	[smem:$0x3F9F] =	sst s1;
	(tag) =	ssettag s2;
	_ =	strace s9  }
0x27: {  	s1 =	sld [smem:$0x3FAF]  }
0x28: {  	s2 =	sld [smem:$0x3FB0]  }
0x29: {  	s4 =	sld [smem:$0x3FB2]  }
0x2a: {  	p0 =	seq.s32 s5, $0x0;
	s5 =	sld [smem:$0x3FB3]  }
0x2b: {  	s6 =	sld [smem:$0x3FB4]  }
0x2c: {  	s7 =	sld [smem:$0x3FB5]  }
0x2d: {  	s3 =	simm.s32 $0x108;
	s8 =	sld [smem:$0x3FB6]  }
0x2e: {  	s3 =	simm.s32 @!p0 $0x1082;
	s9 =	sld [smem:$0x3FB7]  }
0x2f: {  	lr =	sadd.s32 s0, s3;
	s0 =	sld [smem:$0x3FAE]  }
0x30: {  	s3 =	sld [smem:$0x3FB1]  }
0x31: {  	[smem:$0x3FBA] =	sst s10  }
0x32: {  	s10 =	sld [smem:$0x3FB8];
	_ =	sdelay $0x3  }
0x33: {  	p0 =	seq.s32 s10, $0x1;
	s10 =	sld [smem:$0x3FBA];
	_ =	sdelay $0x3  }
0x34: {  	[smem:$0x3FBA] =	sst s10  }
0x35: {  	s10 =	sld [smem:$0x3FB9];
	_ =	sdelay $0x3  }
0x36: {  	p1 =	seq.s32 s10, $0x1;
	s10 =	sld [smem:$0x3FBA];
	_ =	sdelay $0x3  }
0x37: {  	[smem:$0x3FBA] =	sst s10  }
0x38: {  	s10 =	sld [smem:$0x3FBB]  }
0x39: {  	_ = 	snop;
	(pc) =	sbr.ind lr, $3  }
0x3a: {  	_ = 	snop  }
0x3b: {  	_ = 	snop  }
0x3c: {  	p2 =	seq.s32 s10, $0x1;
	s10 =	sld [smem:$0x3FBA]  }
0x3d: {  	_ =	shalt  }
0x3e: {  	_ =	shalt  }
0x3f: {  	_ =	shalt  }
0x40: {  	_ =	shalt  }
0x41: {  	_ =	shalt  }
0x42: {  	_ =	shalt  }
0x43: {  	_ =	shalt  }
0x44: {  	_ =	shalt  }
0x45: {  	_ =	shalt  }
0x46: {  	_ =	shalt  }
0x47: {  	_ =	shalt  }
0x48: {  	_ =	shalt  }
0x49: {  	_ =	shalt  }
0x4a: {  	_ =	shalt  }
0x4b: {  	_ =	shalt  }
0x4c: {  	_ =	shalt  }
0x4d: {  	_ =	shalt  }
0x4e: {  	_ =	shalt  }
0x4f: {  	_ =	shalt  }
0x50: {  	_ =	shalt  }
0x51: {  	_ =	shalt  }
0x52: {  	_ =	shalt  }
0x53: {  	_ =	shalt  }
0x54: {  	_ =	shalt  }
0x55: {  	_ =	shalt  }
0x56: {  	_ =	shalt  }
0x57: {  	_ =	shalt  }
0x58: {  	_ =	shalt  }
0x59: {  	_ =	shalt  }
0x5a: {  	_ =	shalt  }
0x5b: {  	_ =	shalt  }
0x5c: {  	_ =	shalt  }
0x5d: {  	_ =	shalt  }
0x5e: {  	_ =	shalt  }
0x5f: {  	_ =	shalt  }
0x60: {  	_ =	shalt  }
0x61: {  	_ =	shalt  }
0x62: {  	_ =	shalt  }
0x63: {  	_ =	shalt  }
0x64: {  	_ =	shalt  }
0x65: {  	_ =	shalt  }
0x66: {  	_ =	shalt  }
0x67: {  	_ =	shalt  }
0x68: {  	_ =	shalt  }
0x69: {  	_ =	shalt  }
0x6a: {  	_ =	shalt  }
0x6b: {  	_ =	shalt  }
0x6c: {  	_ =	shalt  }
0x6d: {  	_ =	shalt  }
0x6e: {  	_ =	shalt  }
0x6f: {  	_ =	shalt  }
0x70: {  	_ =	shalt  }
0x71: {  	_ =	shalt  }
0x72: {  	_ =	shalt  }
0x73: {  	_ =	shalt  }
0x74: {  	_ =	shalt  }
0x75: {  	_ =	shalt  }
0x76: {  	_ =	shalt  }
0x77: {  	_ =	shalt  }
0x78: {  	_ =	shalt  }
0x79: {  	_ =	shalt  }
0x7a: {  	_ =	shalt  }
0x7b: {  	_ =	shalt  }
0x7c: {  	_ =	shalt  }
0x7d: {  	_ =	shalt  }
0x7e: {  	_ =	shalt  }
0x7f: {  	_ =	shalt  }
0x80: {  	_ =	shalt  }
0x81: {  	_ =	shalt  }
0x82: {  	_ =	shalt  }
0x83: {  	_ =	shalt  }
0x84: {  	_ =	shalt  }
0x85: {  	_ =	shalt  }
0x86: {  	_ =	shalt  }
0x87: {  	_ =	shalt  }
.Lfunc_end0:
.L_simem_size_0:
called_computation.3_lowered:
.L_overlay_start_0:
0x88: {  	s2 =	sld [smem:$0x3FD9]  }
0x89: {  	s3 =	sld [smem:$0x3FFE];
	_ =	sdelay $0x1  }
0x8a: {  	s1 =	srdreg.scid  }
0x8b: {  	s0 =	sand.u32 $0x1, s1  }
0x8c: {  	s17 =	sshll.u32 s0, $0xA;
	s2 =	sadd.s32 s3, s2  }
0x8d: {  	s2 =	sadd.s32 s2, s17  }
0x8e: {  	[smem:$0x3FC6] =	sst s2  }
0x8f: {  	_ = 	snop  }
0x90: {  	s2 =	sld [smem:$0x3FD0];
	(tm) =	ssettm $0x1  }
0x91: {  	s18 =	sld [smem:$0x3FFB];
	_ =	sdelay $0x3  }
0x92: {  	_ =	strace s18  }
0x93: {  	s3 =	sld [smem:$0x3FFC];
	_ =	sdelay $0x3  }
0x94: {  	_ =	strace s3  }
0x95: {  	s3 =	sld [smem:$0x3FFD];
	_ =	sdelay $0x3  }
0x96: {  	_ =	strace s3  }
0x97: {  	_ =	strace $0x8FFFFFFF  }
0x98: {  	s19 =	sld [smem:$0x3FDB];
	_ =	sdelay $0x1  }
0x99: {  	s4 =	simm.s32 $_scs_section_size  }
0x9a: {  	s5 =	simm.s32 $_size__tile_overlayer_lowered;
	s6 =	simm.s32 $_tile_overlayer_lowered  }
0x9b: {  	s22 =	simm.s32 $0x1BFF;
	s21 =	sshll.u32 s6, $0x1;
	s3 =	sadd.s32 s4, s19  }
0x9c: {  	s7 =	simm.s32 $0x0;
	s20 =	sshll.u32 s5, $0x1;
	s5 =	sadd.s32 s21, s3  }
0x9d: {  	[timem:s7], [sflag:s22] =	dma.local [hbm:s5], s20  }
0x9e: {  	_ =	swait.ge [sflag:s22], s20  }
0x9f: {  	s4 =	ssub.s32 $0x0, s20;
	[sflag:s22] =	ssyncset.done $0x0  }
0xa0: {  	[sflag:s22] =	ssyncadd.s32 s4;
	_ =	sdelay $0x1  }
0xa1: {  	s23 =	simm.s32 $0x1B8B  }
0xa2: {  	_ =	swait.ge [sflag:s23], $0x1  }
0xa3: {  	[sflag:s23] =	ssyncset.done $0x0  }
0xa4: {  	s25 =	simm.s32 $0x1B8E;
	s24 =	sld [smem:$0x3FFE];
	[sflag:s23] =	ssyncadd.s32 $0xFFFFFFFF  }
0xa5: {  	s26 =	simm.s32 $execute0_lowered;
	[smem:$0x3FD2] =	sst s25  }
0xa6: {  	s5 =	sshll.u32 s26, $0x1;
	_ =	strace $0x8000004C;
	[dreg:$0x1] =	wrdreg $0xFFFFFFFF  }
0xa7: {  	s28 =	simm.s32 $_size_execute0_lowered;
	s3 =	sadd.s32 s3, s5;
	[dreg:$0x0] =	wrdreg $0x0  }
0xa8: {  	s5 =	sshll.u32 s28, $0x1;
	[dreg:$0x2] =	wrdreg s3  }
0xa9: {  	[dreg:$0x3] =	wrdreg s5  }
0xaa: {  	[dreg:$0x4] =	wrdreg $0xC0  }
0xab: {  	_ =	task [dreg:s7], $0x5FFFF  }
0xac: {  	[dreg:$0x1] =	wrdreg $0xFFFFFFFF  }
0xad: {  	[dreg:$0x0] =	wrdreg $0x60  }
0xae: {  	[dreg:$0x2] =	wrdreg s2  }
0xaf: {  	[dreg:$0x3] =	wrdreg s24  }
0xb0: {  	[dreg:$0x4] =	wrdreg $0x9  }
0xb1: {  	_ =	task.clear_ibuf [dreg:s7], $0x5FFFF;
	_ =	strace $0x9000004C  }
0xb2: {  	s29 =	simm.s32 $0x9;
	_ =	strace $0x8000004E  }
0xb3: {  	_ =	swait.ge [sflag:s29], $0x1  }
0xb4: {  	[sflag:s29] =	ssyncadd.s32 $0xFFFFFFFF  }
0xb5: {  	_ =	strace $0x9000004E  }
0xb6: {  	_ =	sfence  }
0xb7: {  	s30 =	sld [smem:$0x0];
	_ =	sdelay $0x2  }
0xb8: {  	s31 =	sshll.u32 s1, $0xD;
	s1 =	sshrl.u32 s1, $0x2  }
0xb9: {  	s3 =	sand.u32 $0x4000, s31;
	s1 =	sadd.s32 s1, s30  }
0xba: {  	s0 =	sor.u32 s3, s0;
	s1 =	sshll.u32 s1, $0x11  }
0xbb: {  	s0 =	sor.u32 s1, s0  }
0xbc: {  	s0 =	sadd.s32 $0x8F2B, s0  }
0xbd: {  	[sflag:s0] =	ssyncadd.remote.s32 $0x1  }
0xbe: {  	_ =	sfence.sel $0xFFFF  }
0xbf: {  	[dreg:$0x0] =	wrdreg $0xFFFFFFFF;
	(pc) =	sbr.abs _section_cstart, $3  }
0xc0: {  	[dreg:$0x1] =	wrdreg $0xFFFFFFFF  }
0xc1: {  	_ =	task.clear_ibuf [dreg:s7], $0x2FFFF;
	_ =	strace $0x9FFFFFFF  }
0xc2: {  	(tm) =	ssettm $0x7FFFFFFF  }
0xc3: {  	_ =	shalt  }
tec
execute0_lowered:
.L_overlay_start_1:
0x0: {  	(tag) =	ssettag $0x1  }
0x1: {  	s2 =	rddreg [dreg:$0x0]  }
0x2: {  	s1 =	srdreg.scid;
	s0 =	stileid.u32  }
0x3: {  	s4 =	rddreg [dreg:$0x1];
	s3 =	simm.s32 $0x0;
	s11 =	simm.s32 $0x1  }
0x4: {  	s12 =	simm.s32 $0x3200;
	s13 =	simm.s32 $0x2;
	s14 =	simm.s32 $0x9600  }
0x5: {  	s15 =	simm.s32 $0x3;
	s16 =	simm.s32 $0x4;
	s17 =	simm.s32 $0x0  }
0x6: {  	s5 =	sand.u32 $0x1, s1;
	s6 =	sshll.u32 s0, $0x1;
	s1 =	rddreg [dreg:$0x2]  }
.Ltmp0:
0x7: {  	[smem:$0x7FF] =	sst s3;
	s6 =	sor.u32 s5, s6;
	(pc) =	sbr.rel .LBB2_1-.Ltmp0, $4  }
0x8: {  	s4 =	sadd.s32 $0x1000, s4;
	s8 =	ssub.s32 $0x2, s5;
	s7 =	smul.u32 $0x19000, s6  }
0x9: {  	_ =	strace $0x8000004D;
	s9 =	sshrl.u32 s8, $0x1;
	s5 =	sshll.u32 s6, $0x7  }
0xa: {  	s10 =	ssub.s32 s8, s9;
	s8 =	sor.u32 $0x2, s5;
	s6 =	sadd.s32 s2, s7  }
0xb: {  	s9 =	sor.u32 $0x3, s5;
	s10 =	smax.u32 s10, $0x1;
	s7 =	sadd.s32 $0x320, s6  }
.LBB2_18:
0xc: {  	s17 =	sadd.s32 $0x1, s17  }
0xd: {  	_ =	swait.ge [sflag:s15], $0x6400;
	p0 =	sne.s32 s17, s10  }
.Ltmp1:
0xe: {  	[sflag:s15] =	ssyncset.done $0x0;
	(pc) =	sbr.rel @!p0 .LBB2_19-.Ltmp1, $4  }
0xf: {  	[sflag:s15] =	ssyncadd.s32 $0xFFFF9C00  }
0x10: {  	_ =	swait.ge [sflag:s16], $0x6400  }
0x11: {  	[sflag:s16] =	ssyncset.done $0x0  }
0x12: {  	[sflag:s16] =	ssyncadd.s32 $0xFFFF9C00  }
.LBB2_1:
0x13: {  	s18 =	simm.s32 $0x10  }
0x14: {  	s21 =	sadd.s32 $0x0, s6;
	s19 =	simm.s32 $0x100;
	s20 =	simm.s32 $0x0  }
.LBB2_2:
0x15: {  	[tilespmem:s20], [sflag:$0x1] =	stream.linear.gather [hbm4b:s21+s3], $0x80, $0x38;
	[tilespmem:$0xFA00] =	vst v63  }
0x16: {  	s21 =	smov.u32 s18;
	s20 =	smov.u32 s19;
	p0 =	sne.s32 s18, $0x310  }
.Ltmp2:
0x17: {  	s18 =	sadd.s32 $0x10, s18;
	(pc) =	sbr.rel @p0 .LBB2_2-.Ltmp2, $2  }
0x18: {  	_ =	sdelay $0x2  }
0x19: {  	s19 =	sadd.s32 $0x100, s19;
	s21 =	sadd.s32 s21, s6  }
0x1a: {  	[tilespmem:s20], [sflag:$0x1] =	stream.linear.gather [hbm4b:s21+s3], $0x80, $0x38;
	[tilespmem:$0xFA00] =	vst v63  }
0x1b: {  	s18 =	simm.s32 $0x0;
	s19 =	simm.s32 $0x80  }
0x1c: {  	s20 =	simm.s32 $0x10;
	s22 =	sadd.s32 $0x0, s7;
	s21 =	simm.s32 $0x180  }
.LBB2_4:
0x1d: {  	[tilespmem:s19], [sflag:$0x2] =	stream.linear.gather [hbm4b:s22+s18], $0x80, $0x38;
	[tilespmem:$0xFA00] =	vst v63  }
0x1e: {  	s22 =	smov.u32 s20;
	s19 =	smov.u32 s21;
	p0 =	sne.s32 s20, $0x310  }
.Ltmp3:
0x1f: {  	s20 =	sadd.s32 $0x10, s20;
	(pc) =	sbr.rel @p0 .LBB2_4-.Ltmp3, $2  }
0x20: {  	_ =	sdelay $0x2  }
0x21: {  	s21 =	sadd.s32 $0x100, s21;
	s22 =	sadd.s32 s22, s7  }
0x22: {  	[tilespmem:s19], [sflag:$0x2] =	stream.linear.gather [hbm4b:s22+s18], $0x80, $0x38;
	[tilespmem:$0xFA00] =	vst v63  }
.LBB2_6:
0x23: {  	_ =	swait.ge [sflag:s11], $0x1900  }
0x24: {  	p0 =	seq.s32 s18, $0x0;
	[sflag:s11] =	ssyncset.done $0x0  }
0x25: {  	s19 =	simm.s32 @!p0 $0x3;
	[sflag:s11] =	ssyncadd.s32 $0xFFFFE700  }
0x26: {  	s20 =	simm.s32 $0x0;
	_ =	swait.ge @!p0 [sflag:s19], $0x6400  }
0x27: {  	s21 =	sand.u32 $0x60, s20;
	s20 =	sand.u32 $0x3F00, s20;
	[sflag:s19] =	ssyncset.done @!p0 $0x0  }
0x28: {  	s23 =	sor.u32 s21, s20;
	[sflag:s19] =	ssyncadd.s32 @!p0 $0xFFFF9C00  }
0x29: {  	v0 =	vld [tilespmem:s23+$0x0];
	_ =	sdelay $0x3  }
0x2a: {  	s21 =	simm.s32 $0x3210  }
0x2b: {  	[tilespmem:s21+$0xFFFFFFF0] =	vst v0  }
0x2c: {  	v0 =	vld [tilespmem:s23+$0x10];
	_ =	sdelay $0x1  }
0x2d: {  	s24 =	simm.s32 $0x20  }
0x2e: {  	s22 =	simm.s32 $0x40;
	s24 =	sand.u32 $0x60, s24;
	s19 =	sshll.u32 s18, $0x1  }
0x2f: {  	s25 =	sand.u32 $0x3F00, s22;
	s20 =	sadd.s32 s5, s19;
	s23 =	simm.s32 $0x40  }
.LBB2_7:
0x30: {  	p1 =	sne.s32 s23, $0x18E0;
	s24 =	sor.u32 s24, s25;
	[tilespmem:s21+$0x0] =	vst v0  }
0x31: {  	v0 =	vld [tilespmem:s24+$0x0];
	_ =	sdelay $0x3  }
0x32: {  	s21 =	sadd.s32 $0x80, s21  }
0x33: {  	[tilespmem:s21+$0xFFFFFFF0] =	vst v0  }
.Ltmp4:
0x34: {  	v0 =	vld [tilespmem:s24+$0x10];
	(pc) =	sbr.rel @p1 .LBB2_7-.Ltmp4, $3  }
0x35: {  	_ =	sdelay $0x1  }
0x36: {  	s22 =	sadd.s32 $0x40, s22  }
0x37: {  	s25 =	sand.u32 $0x3F00, s22;
	s24 =	sand.u32 $0x60, s23;
	s23 =	sadd.s32 $0x20, s23  }
0x38: {  	s22 =	sor.u32 s24, s25;
	[tilespmem:s21+$0x0] =	vst v0  }
0x39: {  	v0 =	vld [tilespmem:s22+$0x0];
	_ =	sdelay $0x3  }
0x3a: {  	s31 =	sadd.s32 $0x80, s21  }
0x3b: {  	[tilespmem:s31+$0xFFFFFFF0] =	vst v0  }
0x3c: {  	v0 =	vld [tilespmem:s22+$0x10]  }
0x3d: {  	p1 =	seq.s32 s18, $0x3F  }
.Ltmp5:
0x3e: {  	_ = 	snop;
	(pc) =	sbr.rel @p1 .LBB2_12-.Ltmp5, $3  }
0x3f: {  	s20 =	smul.u32 $0xC80, s20;
	_ =	sdelay $0x1  }
0x40: {  	s20 =	sadd.s32 s4, s20;
	[tilespmem:s31+$0x0] =	vst v0  }
0x41: {  	[hbm4b:s20+s3] =	stream.linear.scatter [tilespmem:s12], [sflag:$0x3], $0x6400, $0x38;
	[tilespmem:$0xFA00] =	vst v63  }
0x42: {  	s20 =	sadd.s32 s19, s8  }
0x43: {  	s20 =	smul.u32 $0x320, s20;
	_ =	sdelay $0x1  }
0x44: {  	s21 =	simm.s32 $0x0;
	s20 =	sadd.s32 s2, s20  }
0x45: {  	s22 =	simm.s32 $0x10;
	s23 =	simm.s32 $0x100;
	s24 =	sadd.s32 $0x0, s20  }
.LBB2_10:
0x46: {  	[tilespmem:s21], [sflag:$0x1] =	stream.linear.gather [hbm4b:s24+s3], $0x80, $0x38;
	[tilespmem:$0xFA00] =	vst v63  }
0x47: {  	s24 =	smov.u32 s22;
	s21 =	smov.u32 s23;
	p2 =	sne.s32 s22, $0x310  }
.Ltmp6:
0x48: {  	s22 =	sadd.s32 $0x10, s22;
	(pc) =	sbr.rel @p2 .LBB2_10-.Ltmp6, $2  }
0x49: {  	_ =	sdelay $0x2  }
0x4a: {  	s23 =	sadd.s32 $0x100, s23;
	s24 =	sadd.s32 s24, s20  }
0x4b: {  	[tilespmem:s21], [sflag:$0x1] =	stream.linear.gather [hbm4b:s24+s3], $0x80, $0x38;
	[tilespmem:$0xFA00] =	vst v63  }
.LBB2_12:
0x4c: {  	_ =	swait.ge [sflag:s13], $0x1900  }
0x4d: {  	[sflag:s13] =	ssyncset.done $0x0  }
0x4e: {  	s20 =	simm.s32 @!p0 $0x4;
	[sflag:s13] =	ssyncadd.s32 $0xFFFFE700  }
0x4f: {  	s21 =	simm.s32 $0x0;
	_ =	swait.ge @!p0 [sflag:s20], $0x6400  }
0x50: {  	s22 =	sand.u32 $0x60, s21;
	s21 =	sand.u32 $0x3F00, s21;
	[sflag:s20] =	ssyncset.done @!p0 $0x0  }
0x51: {  	s23 =	sor.u32 s22, s21;
	[sflag:s20] =	ssyncadd.s32 @!p0 $0xFFFF9C00  }
0x52: {  	v0 =	vld [tilespmem:s23+$0x80];
	_ =	sdelay $0x3  }
0x53: {  	s21 =	simm.s32 $0x9600  }
0x54: {  	[tilespmem:s21+$0x0] =	vst v0  }
0x55: {  	v0 =	vld [tilespmem:s23+$0x90];
	_ =	sdelay $0x1  }
0x56: {  	s24 =	simm.s32 $0x20  }
0x57: {  	s31 =	sadd.s32 s19, s5;
	s24 =	sand.u32 $0x60, s24;
	s22 =	simm.s32 $0x40  }
0x58: {  	s25 =	sand.u32 $0x3F00, s22;
	s20 =	sadd.s32 $0x1, s31;
	s23 =	simm.s32 $0x40  }
.LBB2_13:
0x59: {  	p0 =	sne.s32 s23, $0x18E0;
	s24 =	sor.u32 s24, s25;
	[tilespmem:s21+$0x10] =	vst v0  }
0x5a: {  	v0 =	vld [tilespmem:s24+$0x80];
	_ =	sdelay $0x3  }
0x5b: {  	s21 =	sadd.s32 $0x80, s21  }
0x5c: {  	[tilespmem:s21+$0x0] =	vst v0  }
.Ltmp7:
0x5d: {  	v0 =	vld [tilespmem:s24+$0x90];
	(pc) =	sbr.rel @p0 .LBB2_13-.Ltmp7, $3  }
0x5e: {  	_ =	sdelay $0x1  }
0x5f: {  	s22 =	sadd.s32 $0x40, s22  }
0x60: {  	s25 =	sand.u32 $0x3F00, s22;
	s24 =	sand.u32 $0x60, s23;
	s23 =	sadd.s32 $0x20, s23  }
0x61: {  	s22 =	sor.u32 s24, s25;
	[tilespmem:s21+$0x10] =	vst v0  }
0x62: {  	v0 =	vld [tilespmem:s22+$0x80];
	_ =	sdelay $0x3  }
0x63: {  	s31 =	sadd.s32 $0x80, s21  }
0x64: {  	[tilespmem:s31+$0x0] =	vst v0  }
0x65: {  	v0 =	vld [tilespmem:s22+$0x90];
	_ =	sdelay $0x1  }
.Ltmp8:
0x66: {  	_ = 	snop;
	(pc) =	sbr.rel @p1 .LBB2_18-.Ltmp8, $3  }
0x67: {  	s20 =	smul.u32 $0xC80, s20;
	_ =	sdelay $0x1  }
0x68: {  	s20 =	sadd.s32 s4, s20;
	[tilespmem:s31+$0x10] =	vst v0  }
0x69: {  	[hbm4b:s20+s3] =	stream.linear.scatter [tilespmem:s14], [sflag:$0x4], $0x6400, $0x38;
	[tilespmem:$0xFA00] =	vst v63  }
0x6a: {  	s19 =	sadd.s32 s19, s9  }
0x6b: {  	s19 =	smul.u32 $0x320, s19;
	_ =	sdelay $0x1  }
0x6c: {  	s20 =	simm.s32 $0x80;
	s19 =	sadd.s32 s2, s19  }
0x6d: {  	s21 =	simm.s32 $0x10;
	s22 =	simm.s32 $0x180;
	s23 =	sadd.s32 $0x0, s19  }
.LBB2_16:
0x6e: {  	[tilespmem:s20], [sflag:$0x2] =	stream.linear.gather [hbm4b:s23+s3], $0x80, $0x38;
	[tilespmem:$0xFA00] =	vst v63  }
0x6f: {  	s23 =	smov.u32 s21;
	s20 =	smov.u32 s22;
	p0 =	sne.s32 s21, $0x310  }
.Ltmp9:
0x70: {  	s21 =	sadd.s32 $0x10, s21;
	(pc) =	sbr.rel @p0 .LBB2_16-.Ltmp9, $2  }
0x71: {  	_ =	sdelay $0x2  }
0x72: {  	s22 =	sadd.s32 $0x100, s22;
	s23 =	sadd.s32 s23, s19  }
.Ltmp10:
0x73: {  	(pc) =	sbr.rel .LBB2_6-.Ltmp10, $3  }
0x74: {  	_ =	sdelay $0x1  }
0x75: {  	[tilespmem:s20], [sflag:$0x2] =	stream.linear.gather [hbm4b:s23+s3], $0x80, $0x38;
	[tilespmem:$0xFA00] =	vst v63  }
0x76: {  	s18 =	sadd.s32 $0x1, s18  }
.LBB2_19:
0x77: {  	_ =	sfence.sel $0x180000  }
0x78: {  	[bflag:$0x0] =	sbarrier.arrive $0xFFFF  }
0x79: {  	p0 =	sne.s32 s0, $0x0;
	_ =	strace $0x9000004D  }
0x7a: {  	s0 =	sadd.s32 @!p0 $0x100000, s1;
	[bflag:$0x2] =	sbarrier.arrive $0xFFFF  }
0x7b: {  	[sflag:s0] =	ssyncadd.tile.s32 @!p0 $0x1;
	_ =	shalt  }
.Lfunc_end2:
_tile_overlayer_lowered:
.L_overlay_start_2:
0x7c: {  	(tag) =	ssettag $0x2  }
0x7d: {  	s0 =	rddreg [dreg:$0x0];
	s2 =	stileid.u32  }
0x7e: {  	s1 =	rddreg [dreg:$0x1];
	p0 =	sne.s32 s2, $0x0  }
0x7f: {  	s3 =	rddreg [dreg:$0x2];
	[bflag:$0x3] =	sbarrier.arrive $0xFFFF;
	s2 =	simm.s32 @!p0 $0x1C05  }
0x80: {  	[timem:s3], [sflag:s2] =	dma.local @!p0 [hbm:s0], s1  }
0x81: {  	s0 =	simm.s32 @!p0 $0x5  }
0x82: {  	_ =	swait.ge @!p0 [sflag:s0], s1  }
0x83: {  	s1 =	ssub.s32 @!p0 $0x0, s1;
	[sflag:s0] =	ssyncset.done @!p0 $0x0  }
0x84: {  	[sflag:s0] =	ssyncadd.s32 @!p0 s1  }
0x85: {  	[bflag:$0x3] =	sbarrier.arrive $0xFFFF  }
0x86: {  	_ =	shalt  }

// kernel: kernel.5.cloned.1.call-start
scs
__scs_entry_jumppad:
0x0: {  	(pc) =	sbr.rel $0x88, $3  }
0x1: {  	(tag) =	ssettag $0x0;
	lr =	simm.s32 $0x1  }
0x2: {  	[smem:$0x3F9F] =	sst lr;
	_ =	strace $0xD0000000  }
0x3: {  	_ = 	snop  }
0x4: {  	_ = 	snop  }
0x5: {  	_ = 	snop  }
0x6: {  	_ = 	snop  }
0x7: {  	_ = 	snop  }
__scs_overlays_trampoline_lowered:
0x8: {  	[smem:$0x3FAE] =	sst s0  }
0x9: {  	[smem:$0x3FAF] =	sst s1  }
0xa: {  	[smem:$0x3FB0] =	sst s2  }
0xb: {  	[smem:$0x3FB1] =	sst s3  }
0xc: {  	[smem:$0x3FB2] =	sst s4  }
0xd: {  	[smem:$0x3FB3] =	sst s5  }
0xe: {  	[smem:$0x3FB4] =	sst s6  }
0xf: {  	[smem:$0x3FB5] =	sst s7  }
0x10: {  	[smem:$0x3FB6] =	sst s8  }
0x11: {  	[smem:$0x3FB7] =	sst s9;
	s0 =	simm.s32 @!p0 $0x0  }
0x12: {  	s1 =	sld [smem:$0x3F9D];
	s0 =	simm.s32 @p0 $0x1  }
0x13: {  	[smem:$0x3FB8] =	sst s0;
	s0 =	simm.s32 @!p1 $0x0  }
0x14: {  	s2 =	sld [smem:$0x3F9C];
	s0 =	simm.s32 @p1 $0x1  }
0x15: {  	[smem:$0x3FB9] =	sst s0;
	s0 =	simm.s32 @!p2 $0x0  }
0x16: {  	s3 =	sld [smem:$0x3FDB];
	s0 =	simm.s32 @p2 $0x1  }
0x17: {  	s4 =	simm.s32 $0x1BF5;
	[smem:$0x3FBB] =	sst s0  }
0x18: {  	s0 =	sld [smem:$0x3F9E];
	_ =	swait.ge [sflag:s4], $0x0  }
0x19: {  	s7 =	sld [smem:$0x3F9F]  }
0x1a: {  	s8 =	sadd.s32 $0xFFFFE003, lr  }
0x1b: {  	s9 =	sadd.s32 $0xFFFFFEF7, lr;
	s5 =	simm.s32 $0xFFFFFFFF;
	p2 =	slt.u32 s8, $0xFFFFF086  }
0x1c: {  	p1 =	slt.u32 s9, $0xF7A;
	s5 =	simm.s32 @!p2 $0x0  }
0x1d: {  	s5 =	simm.s32 @p1 $0x1;
	p0 =	seq.s32 s7, s2  }
0x1e: {  	s7 =	smul.u32 @!p0 $0xF7A, s2;
	p2 =	seq.s32 @!p0 s5, $0x0  }
0x1f: {  	s9 =	smul.u32 $0xF7A, s1;
	s8 =	simm.s32 @!p0 $0x1BF5;
	p2 =	por !p2, p0  }
0x20: {  	[sflag:s8] =	ssyncset.s32 @!p0 $0xFFFFF086;
	s6 =	sadd.s32 @!p0 s3, s7;
	s7 =	simm.s32 @!p0 $0x108  }
0x21: {  	s3 =	sadd.s32 s3, s9;
	s6 =	sadd.s32 @!p0 $0x88, s6;
	s7 =	simm.s32 @p2 $0x1082  }
0x22: {  	[simem:s7], [sflag:s8] =	dma.local @!p0 [hbm:s6], $0xF7A  }
0x23: {  	s9 =	sor.u32 $0xD0000000, s2;
	s6 =	simm.s32 $0x108;
	_ =	swait.ge @!p0 [sflag:s8], $0x0  }
0x24: {  	s3 =	sadd.s32 $0x88, s3;
	s6 =	simm.s32 @!p1 $0x1082;
	[sflag:s4] =	ssyncset.s32 $0xFFFFF086  }
0x25: {  	[simem:s6], [sflag:s4] =	dma.local [hbm:s3], $0xF7A  }
0x26: {  	[smem:$0x3F9F] =	sst s1;
	(tag) =	ssettag s2;
	_ =	strace s9  }
0x27: {  	s1 =	sld [smem:$0x3FAF]  }
0x28: {  	s2 =	sld [smem:$0x3FB0]  }
0x29: {  	s4 =	sld [smem:$0x3FB2]  }
0x2a: {  	p0 =	seq.s32 s5, $0x0;
	s5 =	sld [smem:$0x3FB3]  }
0x2b: {  	s6 =	sld [smem:$0x3FB4]  }
0x2c: {  	s7 =	sld [smem:$0x3FB5]  }
0x2d: {  	s3 =	simm.s32 $0x108;
	s8 =	sld [smem:$0x3FB6]  }
0x2e: {  	s3 =	simm.s32 @!p0 $0x1082;
	s9 =	sld [smem:$0x3FB7]  }
0x2f: {  	lr =	sadd.s32 s0, s3;
	s0 =	sld [smem:$0x3FAE]  }
0x30: {  	s3 =	sld [smem:$0x3FB1]  }
0x31: {  	[smem:$0x3FBA] =	sst s10  }
0x32: {  	s10 =	sld [smem:$0x3FB8];
	_ =	sdelay $0x3  }
0x33: {  	p0 =	seq.s32 s10, $0x1;
	s10 =	sld [smem:$0x3FBA];
	_ =	sdelay $0x3  }
0x34: {  	[smem:$0x3FBA] =	sst s10  }
0x35: {  	s10 =	sld [smem:$0x3FB9];
	_ =	sdelay $0x3  }
0x36: {  	p1 =	seq.s32 s10, $0x1;
	s10 =	sld [smem:$0x3FBA];
	_ =	sdelay $0x3  }
0x37: {  	[smem:$0x3FBA] =	sst s10  }
0x38: {  	s10 =	sld [smem:$0x3FBB]  }
0x39: {  	_ = 	snop;
	(pc) =	sbr.ind lr, $3  }
0x3a: {  	_ = 	snop  }
0x3b: {  	_ = 	snop  }
0x3c: {  	p2 =	seq.s32 s10, $0x1;
	s10 =	sld [smem:$0x3FBA]  }
0x3d: {  	_ =	shalt  }
0x3e: {  	_ =	shalt  }
0x3f: {  	_ =	shalt  }
0x40: {  	_ =	shalt  }
0x41: {  	_ =	shalt  }
0x42: {  	_ =	shalt  }
0x43: {  	_ =	shalt  }
0x44: {  	_ =	shalt  }
0x45: {  	_ =	shalt  }
0x46: {  	_ =	shalt  }
0x47: {  	_ =	shalt  }
0x48: {  	_ =	shalt  }
0x49: {  	_ =	shalt  }
0x4a: {  	_ =	shalt  }
0x4b: {  	_ =	shalt  }
0x4c: {  	_ =	shalt  }
0x4d: {  	_ =	shalt  }
0x4e: {  	_ =	shalt  }
0x4f: {  	_ =	shalt  }
0x50: {  	_ =	shalt  }
0x51: {  	_ =	shalt  }
0x52: {  	_ =	shalt  }
0x53: {  	_ =	shalt  }
0x54: {  	_ =	shalt  }
0x55: {  	_ =	shalt  }
0x56: {  	_ =	shalt  }
0x57: {  	_ =	shalt  }
0x58: {  	_ =	shalt  }
0x59: {  	_ =	shalt  }
0x5a: {  	_ =	shalt  }
0x5b: {  	_ =	shalt  }
0x5c: {  	_ =	shalt  }
0x5d: {  	_ =	shalt  }
0x5e: {  	_ =	shalt  }
0x5f: {  	_ =	shalt  }
0x60: {  	_ =	shalt  }
0x61: {  	_ =	shalt  }
0x62: {  	_ =	shalt  }
0x63: {  	_ =	shalt  }
0x64: {  	_ =	shalt  }
0x65: {  	_ =	shalt  }
0x66: {  	_ =	shalt  }
0x67: {  	_ =	shalt  }
0x68: {  	_ =	shalt  }
0x69: {  	_ =	shalt  }
0x6a: {  	_ =	shalt  }
0x6b: {  	_ =	shalt  }
0x6c: {  	_ =	shalt  }
0x6d: {  	_ =	shalt  }
0x6e: {  	_ =	shalt  }
0x6f: {  	_ =	shalt  }
0x70: {  	_ =	shalt  }
0x71: {  	_ =	shalt  }
0x72: {  	_ =	shalt  }
0x73: {  	_ =	shalt  }
0x74: {  	_ =	shalt  }
0x75: {  	_ =	shalt  }
0x76: {  	_ =	shalt  }
0x77: {  	_ =	shalt  }
0x78: {  	_ =	shalt  }
0x79: {  	_ =	shalt  }
0x7a: {  	_ =	shalt  }
0x7b: {  	_ =	shalt  }
0x7c: {  	_ =	shalt  }
0x7d: {  	_ =	shalt  }
0x7e: {  	_ =	shalt  }
0x7f: {  	_ =	shalt  }
0x80: {  	_ =	shalt  }
0x81: {  	_ =	shalt  }
0x82: {  	_ =	shalt  }
0x83: {  	_ =	shalt  }
0x84: {  	_ =	shalt  }
0x85: {  	_ =	shalt  }
0x86: {  	_ =	shalt  }
0x87: {  	_ =	shalt  }
.Lfunc_end0:
.L_simem_size_0:
called_computation.1_lowered:
.L_overlay_start_0:
0x88: {  	s2 =	sld [smem:$0x3FD9]  }
0x89: {  	s3 =	sld [smem:$0x3FFE];
	_ =	sdelay $0x1  }
0x8a: {  	s1 =	srdreg.scid  }
0x8b: {  	s0 =	sand.u32 $0x1, s1  }
0x8c: {  	s17 =	sshll.u32 s0, $0xA;
	s2 =	sadd.s32 s3, s2  }
0x8d: {  	s2 =	sadd.s32 s2, s17  }
0x8e: {  	[smem:$0x3FC6] =	sst s2  }
0x8f: {  	_ = 	snop  }
0x90: {  	s2 =	sld [smem:$0x3FD0];
	(tm) =	ssettm $0x1  }
0x91: {  	s18 =	sld [smem:$0x3FFB];
	_ =	sdelay $0x3  }
0x92: {  	_ =	strace s18  }
0x93: {  	s3 =	sld [smem:$0x3FFC];
	_ =	sdelay $0x3  }
0x94: {  	_ =	strace s3  }
0x95: {  	s3 =	sld [smem:$0x3FFD];
	_ =	sdelay $0x3  }
0x96: {  	_ =	strace s3  }
0x97: {  	_ =	strace $0x8FFFFFFF  }
0x98: {  	s19 =	sld [smem:$0x3FDB];
	_ =	sdelay $0x1  }
0x99: {  	s4 =	simm.s32 $_scs_section_size  }
0x9a: {  	s5 =	simm.s32 $_size__tile_overlayer_lowered;
	s6 =	simm.s32 $_tile_overlayer_lowered  }
0x9b: {  	s22 =	simm.s32 $0x1BFF;
	s21 =	sshll.u32 s6, $0x1;
	s3 =	sadd.s32 s4, s19  }
0x9c: {  	s7 =	simm.s32 $0x0;
	s20 =	sshll.u32 s5, $0x1;
	s5 =	sadd.s32 s21, s3  }
0x9d: {  	[timem:s7], [sflag:s22] =	dma.local [hbm:s5], s20  }
0x9e: {  	_ =	swait.ge [sflag:s22], s20  }
0x9f: {  	s4 =	ssub.s32 $0x0, s20;
	[sflag:s22] =	ssyncset.done $0x0  }
0xa0: {  	[sflag:s22] =	ssyncadd.s32 s4;
	_ =	sdelay $0x1  }
0xa1: {  	s23 =	simm.s32 $0x1B8B  }
0xa2: {  	_ =	swait.ge [sflag:s23], $0x1  }
0xa3: {  	[sflag:s23] =	ssyncset.done $0x0  }
0xa4: {  	s25 =	simm.s32 $0x1B8E;
	s24 =	sld [smem:$0x3FFE];
	[sflag:s23] =	ssyncadd.s32 $0xFFFFFFFF  }
0xa5: {  	s26 =	simm.s32 $execute0_lowered;
	[smem:$0x3FD2] =	sst s25  }
0xa6: {  	s5 =	sshll.u32 s26, $0x1;
	_ =	strace $0x80000046;
	[dreg:$0x1] =	wrdreg $0xFFFFFFFF  }
0xa7: {  	s28 =	simm.s32 $_size_execute0_lowered;
	s3 =	sadd.s32 s3, s5;
	[dreg:$0x0] =	wrdreg $0x0  }
0xa8: {  	s5 =	sshll.u32 s28, $0x1;
	[dreg:$0x2] =	wrdreg s3  }
0xa9: {  	[dreg:$0x3] =	wrdreg s5  }
0xaa: {  	[dreg:$0x4] =	wrdreg $0xC0  }
0xab: {  	_ =	task [dreg:s7], $0x5FFFF  }
0xac: {  	[dreg:$0x1] =	wrdreg $0xFFFFFFFF  }
0xad: {  	[dreg:$0x0] =	wrdreg $0x60  }
0xae: {  	[dreg:$0x2] =	wrdreg s2  }
0xaf: {  	[dreg:$0x3] =	wrdreg s24  }
0xb0: {  	[dreg:$0x4] =	wrdreg $0x9  }
0xb1: {  	_ =	task.clear_ibuf [dreg:s7], $0x5FFFF;
	_ =	strace $0x90000046  }
0xb2: {  	s29 =	simm.s32 $0x9;
	_ =	strace $0x80000048  }
0xb3: {  	_ =	swait.ge [sflag:s29], $0x1  }
0xb4: {  	[sflag:s29] =	ssyncadd.s32 $0xFFFFFFFF  }
0xb5: {  	_ =	strace $0x90000048  }
0xb6: {  	_ =	sfence  }
0xb7: {  	s30 =	sld [smem:$0x0];
	_ =	sdelay $0x2  }
0xb8: {  	s31 =	sshll.u32 s1, $0xD;
	s1 =	sshrl.u32 s1, $0x2  }
0xb9: {  	s3 =	sand.u32 $0x4000, s31;
	s1 =	sadd.s32 s1, s30  }
0xba: {  	s0 =	sor.u32 s3, s0;
	s1 =	sshll.u32 s1, $0x11  }
0xbb: {  	s0 =	sor.u32 s1, s0  }
0xbc: {  	s0 =	sadd.s32 $0x8F2B, s0  }
0xbd: {  	[sflag:s0] =	ssyncadd.remote.s32 $0x1  }
0xbe: {  	_ =	sfence.sel $0xFFFF  }
0xbf: {  	[dreg:$0x0] =	wrdreg $0xFFFFFFFF;
	(pc) =	sbr.abs _section_cstart, $3  }
0xc0: {  	[dreg:$0x1] =	wrdreg $0xFFFFFFFF  }
0xc1: {  	_ =	task.clear_ibuf [dreg:s7], $0x2FFFF;
	_ =	strace $0x9FFFFFFF  }
0xc2: {  	(tm) =	ssettm $0x7FFFFFFF  }
0xc3: {  	_ =	shalt  }
tec
execute0_lowered:
.L_overlay_start_1:
0x0: {  	(tag) =	ssettag $0x1  }
0x1: {  	s3 =	rddreg [dreg:$0x0];
	s1 =	srdreg.scid  }
0x2: {  	s0 =	stileid.u32;
	s4 =	rddreg [dreg:$0x1];
	v0 =	vimm.s32 $0xFEDCBA98;
	s2 =	simm.s32 $0x0  }
0x3: {  	v1 =	vimm.s32 $0x76543210;
	s5 =	sand.u32 $0x1, s1;
	s6 =	sshll.u32 s0, $0x1;
	s1 =	rddreg [dreg:$0x2];
	v0 =	vunpack.c.l.s4.s8 v0  }
0x4: {  	[smem:$0x7FF] =	sst s2;
	v1 =	vunpack.c.l.s4.s8 v1;
	s6 =	sor.u32 s5, s6;
	s5 =	ssub.s32 $0x2, s5  }
0x5: {  	s7 =	smul.u32 $0xC80, s6;
	s8 =	sshrl.u32 s5, $0x1;
	v0 =	vunpack.c.0.s8.s32 v0;
	s6 =	sshll.u32 s6, $0xC  }
0x6: {  	_ =	strace $0x80000047;
	v1 =	vunpack.c.0.s8.s32 v1;
	s5 =	ssub.s32 s5, s8;
	s3 =	sadd.s32 s3, s6  }
0x7: {  	s6 =	simm.s32 $0x1;
	s8 =	simm.s32 $0x0;
	s4 =	sadd.s32 s7, s4;
	v0 =	vand.u32 $0xF, v0  }
0x8: {  	vm0 =	vmmov $0xff;
	s5 =	smax.u32 s5, $0x1;
	s7 =	simm.s32 $0x8000;
	s4 =	sadd.s32 $0x1000, s4;
	v0 =	vcombine.low v0, v1  }
.LBB2_1:
0x9: {  	[tilespmem:s2], [sflag:$0x1] =	stream.linear.gather [hbm4b:s3+s2], $0x8000, $0x38;
	[tilespmem:$0xE400] =	vst v63  }
0xa: {  	_ =	swait.ge [sflag:s6], $0x8000  }
0xb: {  	s9 =	sand.u32 $0x7800, s2;
	s10 =	sand.u32 $0x380, s2;
	[sflag:s6] =	ssyncset.done $0x0  }
0xc: {  	s10 =	sor.u32 s10, s9;
	[sflag:s6] =	ssyncadd.s32 $0xFFFF8000  }
0xd: {  	v1 =	vld [tilespmem:s10+$0x0];
	_ =	sdelay $0x3  }
0xe: {  	s9 =	simm.s32 $0x8060  }
0xf: {  	[tilespmem:s9+$0xFFFFFFA0] =	vst v1  }
0x10: {  	v1 =	vld [tilespmem:s10+$0x10];
	_ =	sdelay $0x4  }
0x11: {  	[tilespmem:s9+$0xFFFFFFB0] =	vst v1  }
0x12: {  	v1 =	vld [tilespmem:s10+$0x20];
	_ =	sdelay $0x4  }
0x13: {  	[tilespmem:s9+$0xFFFFFFC0] =	vst v1  }
0x14: {  	v1 =	vld [tilespmem:s10+$0x30];
	_ =	sdelay $0x4  }
0x15: {  	[tilespmem:s9+$0xFFFFFFD0] =	vst v1  }
0x16: {  	v1 =	vld [tilespmem:s10+$0x40];
	_ =	sdelay $0x4  }
0x17: {  	[tilespmem:s9+$0xFFFFFFE0] =	vst v1  }
0x18: {  	v1 =	vld [tilespmem:s10+$0x50];
	_ =	sdelay $0x4  }
0x19: {  	[tilespmem:s9+$0xFFFFFFF0] =	vst v1  }
0x1a: {  	v1 =	vld [tilespmem:s10+$0x60];
	_ =	sdelay $0x4  }
0x1b: {  	[tilespmem:s9+$0x0] =	vst v1  }
0x1c: {  	v1 =	vld [tilespmem:s10+$0x70];
	_ =	sdelay $0x4  }
0x1d: {  	[tilespmem:s9+$0x10] =	vst v1  }
0x1e: {  	v1 =	vld [tilespmem:s10+$0x400];
	_ =	sdelay $0x3  }
0x1f: {  	s11 =	sand.u32 $0x7FF8, s2  }
0x20: {  	[tilespmem:s11+$0x8080] =	vst v1  }
0x21: {  	v1 =	vld [tilespmem:s10+$0x410];
	_ =	sdelay $0x4  }
0x22: {  	[tilespmem:s9+$0x30] =	vst v1  }
0x23: {  	v1 =	vld [tilespmem:s10+$0x420];
	_ =	sdelay $0x4  }
0x24: {  	[tilespmem:s9+$0x40] =	vst v1  }
0x25: {  	v1 =	vld [tilespmem:s10+$0x430];
	_ =	sdelay $0x4  }
0x26: {  	s10 =	sor.u32 $0x440, s10;
	[tilespmem:s9+$0x50] =	vst v1  }
0x27: {  	v2 =	vld.msk [tilespmem:s10+$0x0], $0xff;
	_ =	sdelay $0x4  }
0x28: {  	v1 =	vperm.xlane v1, v0;
	v2 =	vperm.xlane v2, v0  }
0x29: {  	s12 =	simm.s32 $0x100;
	s13 =	simm.s32 $0x190;
	s11 =	simm.s32 $0x80  }
0x2a: {  	s14 =	sand.u32 $0x7800, s12;
	s15 =	sand.u32 $0x380, s11;
	s10 =	simm.s32 $0xC8;
	v1 =	vsel vm0, v1, v2  }
.LBB2_2:
0x2b: {  	p0 =	sne.s32 s13, $0x6338;
	s14 =	sor.u32 s15, s14;
	[tilespmem:s9+$0x58] =	vst v1  }
0x2c: {  	v1 =	vld [tilespmem:s14+$0x0];
	_ =	sdelay $0x3  }
0x2d: {  	s9 =	sadd.s32 $0xC8, s9  }
0x2e: {  	[tilespmem:s9+$0xFFFFFFA0] =	vst v1  }
0x2f: {  	v1 =	vld [tilespmem:s14+$0x10];
	_ =	sdelay $0x4  }
0x30: {  	[tilespmem:s9+$0xFFFFFFB0] =	vst v1  }
0x31: {  	v1 =	vld [tilespmem:s14+$0x20];
	_ =	sdelay $0x4  }
0x32: {  	[tilespmem:s9+$0xFFFFFFC0] =	vst v1  }
0x33: {  	v1 =	vld [tilespmem:s14+$0x30];
	_ =	sdelay $0x4  }
0x34: {  	[tilespmem:s9+$0xFFFFFFD0] =	vst v1  }
0x35: {  	v1 =	vld [tilespmem:s14+$0x40];
	_ =	sdelay $0x4  }
0x36: {  	[tilespmem:s9+$0xFFFFFFE0] =	vst v1  }
0x37: {  	v1 =	vld [tilespmem:s14+$0x50];
	_ =	sdelay $0x4  }
0x38: {  	[tilespmem:s9+$0xFFFFFFF0] =	vst v1  }
0x39: {  	v1 =	vld [tilespmem:s14+$0x60];
	_ =	sdelay $0x4  }
0x3a: {  	[tilespmem:s9+$0x0] =	vst v1  }
0x3b: {  	v1 =	vld [tilespmem:s14+$0x70];
	_ =	sdelay $0x4  }
0x3c: {  	[tilespmem:s9+$0x10] =	vst v1  }
0x3d: {  	v1 =	vld [tilespmem:s14+$0x400];
	_ =	sdelay $0x3  }
0x3e: {  	s15 =	sand.u32 $0x7FF8, s10;
	s10 =	smov.u32 s13  }
0x3f: {  	[tilespmem:s15+$0x8080] =	vst v1  }
0x40: {  	v1 =	vld [tilespmem:s14+$0x410];
	_ =	sdelay $0x4  }
0x41: {  	[tilespmem:s9+$0x30] =	vst v1  }
0x42: {  	v1 =	vld [tilespmem:s14+$0x420];
	_ =	sdelay $0x4  }
0x43: {  	[tilespmem:s9+$0x40] =	vst v1  }
0x44: {  	v1 =	vld [tilespmem:s14+$0x430];
	_ =	sdelay $0x4  }
0x45: {  	s14 =	sor.u32 $0x440, s14;
	[tilespmem:s9+$0x50] =	vst v1  }
0x46: {  	v2 =	vld.msk [tilespmem:s14+$0x0], $0xff;
	_ =	sdelay $0x2  }
.Ltmp0:
0x47: {  	(pc) =	sbr.rel @p0 .LBB2_2-.Ltmp0, $4  }
0x48: {  	_ = 	snop  }
0x49: {  	v1 =	vperm.xlane v1, v0;
	v2 =	vperm.xlane v2, v0  }
0x4a: {  	s11 =	sadd.s32 $0x80, s11;
	s12 =	sadd.s32 $0x100, s12  }
0x4b: {  	s13 =	sadd.s32 $0xC8, s13;
	s15 =	sand.u32 $0x380, s11;
	s14 =	sand.u32 $0x7800, s12;
	v1 =	vsel vm0, v1, v2  }
0x4c: {  	s11 =	sor.u32 s15, s14;
	[tilespmem:s9+$0x58] =	vst v1  }
0x4d: {  	v1 =	vld [tilespmem:s11+$0x0];
	_ =	sdelay $0x3  }
0x4e: {  	s30 =	sadd.s32 $0xC8, s9  }
0x4f: {  	[tilespmem:s30+$0xFFFFFFA0] =	vst v1  }
0x50: {  	v1 =	vld [tilespmem:s11+$0x10];
	_ =	sdelay $0x4  }
0x51: {  	[tilespmem:s30+$0xFFFFFFB0] =	vst v1  }
0x52: {  	v1 =	vld [tilespmem:s11+$0x20];
	_ =	sdelay $0x4  }
0x53: {  	[tilespmem:s30+$0xFFFFFFC0] =	vst v1  }
0x54: {  	v1 =	vld [tilespmem:s11+$0x30];
	_ =	sdelay $0x4  }
0x55: {  	[tilespmem:s30+$0xFFFFFFD0] =	vst v1  }
0x56: {  	v1 =	vld [tilespmem:s11+$0x40];
	_ =	sdelay $0x4  }
0x57: {  	[tilespmem:s30+$0xFFFFFFE0] =	vst v1  }
0x58: {  	v1 =	vld [tilespmem:s11+$0x50];
	_ =	sdelay $0x4  }
0x59: {  	[tilespmem:s30+$0xFFFFFFF0] =	vst v1  }
0x5a: {  	v1 =	vld [tilespmem:s11+$0x60];
	_ =	sdelay $0x4  }
0x5b: {  	[tilespmem:s30+$0x0] =	vst v1  }
0x5c: {  	v1 =	vld [tilespmem:s11+$0x70];
	_ =	sdelay $0x4  }
0x5d: {  	[tilespmem:s30+$0x10] =	vst v1  }
0x5e: {  	v1 =	vld [tilespmem:s11+$0x400];
	_ =	sdelay $0x3  }
0x5f: {  	s10 =	sand.u32 $0x7FF8, s10  }
0x60: {  	[tilespmem:s10+$0x8080] =	vst v1  }
0x61: {  	v1 =	vld [tilespmem:s11+$0x410];
	_ =	sdelay $0x4  }
0x62: {  	[tilespmem:s30+$0x30] =	vst v1  }
0x63: {  	v1 =	vld [tilespmem:s11+$0x420];
	_ =	sdelay $0x4  }
0x64: {  	[tilespmem:s30+$0x40] =	vst v1  }
0x65: {  	v1 =	vld [tilespmem:s11+$0x430];
	_ =	sdelay $0x4  }
0x66: {  	s31 =	sor.u32 $0x440, s11;
	[tilespmem:s30+$0x50] =	vst v1  }
0x67: {  	v2 =	vld.msk [tilespmem:s31+$0x0], $0xff;
	_ =	sdelay $0x4  }
0x68: {  	v1 =	vperm.xlane v1, v0;
	v2 =	vperm.xlane v2, v0  }
0x69: {  	s8 =	sadd.s32 $0x1, s8  }
0x6a: {  	p0 =	sne.s32 s8, s5;
	v1 =	vsel vm0, v1, v2  }
.Ltmp1:
0x6b: {  	[tilespmem:s30+$0x58] =	vst v1;
	(pc) =	sbr.rel @p0 .LBB2_1-.Ltmp1, $4  }
0x6c: {  	[hbm4b:s4+s2] =	stream.linear.scatter [tilespmem:s7], [sflag:$0x1], $0x6400, $0x38;
	[tilespmem:$0xE400] =	vst v63  }
0x6d: {  	_ =	swait.ge [sflag:s6], $0x6400  }
0x6e: {  	[sflag:s6] =	ssyncset.done $0x0  }
0x6f: {  	[sflag:s6] =	ssyncadd.s32 $0xFFFF9C00  }
0x70: {  	_ =	sfence.sel $0x180000  }
0x71: {  	[bflag:$0x0] =	sbarrier.arrive $0xFFFF  }
0x72: {  	p0 =	sne.s32 s0, $0x0;
	_ =	strace $0x90000047  }
0x73: {  	s0 =	sadd.s32 @!p0 $0x100000, s1;
	[bflag:$0x2] =	sbarrier.arrive $0xFFFF  }
0x74: {  	[sflag:s0] =	ssyncadd.tile.s32 @!p0 $0x1;
	_ =	shalt  }
.Lfunc_end2:
_tile_overlayer_lowered:
.L_overlay_start_2:
0x75: {  	(tag) =	ssettag $0x2  }
0x76: {  	s0 =	rddreg [dreg:$0x0];
	s2 =	stileid.u32  }
0x77: {  	s1 =	rddreg [dreg:$0x1];
	p0 =	sne.s32 s2, $0x0  }
0x78: {  	s3 =	rddreg [dreg:$0x2];
	[bflag:$0x3] =	sbarrier.arrive $0xFFFF;
	s2 =	simm.s32 @!p0 $0x1C01  }
0x79: {  	[timem:s3], [sflag:s2] =	dma.local @!p0 [hbm:s0], s1  }
0x7a: {  	s0 =	simm.s32 @!p0 $0x1  }
0x7b: {  	_ =	swait.ge @!p0 [sflag:s0], s1  }
0x7c: {  	s1 =	ssub.s32 @!p0 $0x0, s1;
	[sflag:s0] =	ssyncset.done @!p0 $0x0  }
0x7d: {  	[sflag:s0] =	ssyncadd.s32 @!p0 s1  }
0x7e: {  	[bflag:$0x3] =	sbarrier.arrive $0xFFFF  }
0x7f: {  	_ =	shalt  }

// kernel: kernel.8.cloned.1.call-start
scs
__scs_entry_jumppad:
0x0: {  	(pc) =	sbr.rel $0x88, $3  }
0x1: {  	(tag) =	ssettag $0x0;
	lr =	simm.s32 $0x1  }
0x2: {  	[smem:$0x3F9F] =	sst lr;
	_ =	strace $0xD0000000  }
0x3: {  	_ = 	snop  }
0x4: {  	_ = 	snop  }
0x5: {  	_ = 	snop  }
0x6: {  	_ = 	snop  }
0x7: {  	_ = 	snop  }
__scs_overlays_trampoline_lowered:
0x8: {  	[smem:$0x3FAE] =	sst s0  }
0x9: {  	[smem:$0x3FAF] =	sst s1  }
0xa: {  	[smem:$0x3FB0] =	sst s2  }
0xb: {  	[smem:$0x3FB1] =	sst s3  }
0xc: {  	[smem:$0x3FB2] =	sst s4  }
0xd: {  	[smem:$0x3FB3] =	sst s5  }
0xe: {  	[smem:$0x3FB4] =	sst s6  }
0xf: {  	[smem:$0x3FB5] =	sst s7  }
0x10: {  	[smem:$0x3FB6] =	sst s8  }
0x11: {  	[smem:$0x3FB7] =	sst s9;
	s0 =	simm.s32 @!p0 $0x0  }
0x12: {  	s1 =	sld [smem:$0x3F9D];
	s0 =	simm.s32 @p0 $0x1  }
0x13: {  	[smem:$0x3FB8] =	sst s0;
	s0 =	simm.s32 @!p1 $0x0  }
0x14: {  	s2 =	sld [smem:$0x3F9C];
	s0 =	simm.s32 @p1 $0x1  }
0x15: {  	[smem:$0x3FB9] =	sst s0;
	s0 =	simm.s32 @!p2 $0x0  }
0x16: {  	s3 =	sld [smem:$0x3FDB];
	s0 =	simm.s32 @p2 $0x1  }
0x17: {  	s4 =	simm.s32 $0x1BF5;
	[smem:$0x3FBB] =	sst s0  }
0x18: {  	s0 =	sld [smem:$0x3F9E];
	_ =	swait.ge [sflag:s4], $0x0  }
0x19: {  	s7 =	sld [smem:$0x3F9F]  }
0x1a: {  	s8 =	sadd.s32 $0xFFFFE003, lr  }
0x1b: {  	s9 =	sadd.s32 $0xFFFFFEF7, lr;
	s5 =	simm.s32 $0xFFFFFFFF;
	p2 =	slt.u32 s8, $0xFFFFF086  }
0x1c: {  	p1 =	slt.u32 s9, $0xF7A;
	s5 =	simm.s32 @!p2 $0x0  }
0x1d: {  	s5 =	simm.s32 @p1 $0x1;
	p0 =	seq.s32 s7, s2  }
0x1e: {  	s7 =	smul.u32 @!p0 $0xF7A, s2;
	p2 =	seq.s32 @!p0 s5, $0x0  }
0x1f: {  	s9 =	smul.u32 $0xF7A, s1;
	s8 =	simm.s32 @!p0 $0x1BF5;
	p2 =	por !p2, p0  }
0x20: {  	[sflag:s8] =	ssyncset.s32 @!p0 $0xFFFFF086;
	s6 =	sadd.s32 @!p0 s3, s7;
	s7 =	simm.s32 @!p0 $0x108  }
0x21: {  	s3 =	sadd.s32 s3, s9;
	s6 =	sadd.s32 @!p0 $0x88, s6;
	s7 =	simm.s32 @p2 $0x1082  }
0x22: {  	[simem:s7], [sflag:s8] =	dma.local @!p0 [hbm:s6], $0xF7A  }
0x23: {  	s9 =	sor.u32 $0xD0000000, s2;
	s6 =	simm.s32 $0x108;
	_ =	swait.ge @!p0 [sflag:s8], $0x0  }
0x24: {  	s3 =	sadd.s32 $0x88, s3;
	s6 =	simm.s32 @!p1 $0x1082;
	[sflag:s4] =	ssyncset.s32 $0xFFFFF086  }
0x25: {  	[simem:s6], [sflag:s4] =	dma.local [hbm:s3], $0xF7A  }
0x26: {  	[smem:$0x3F9F] =	sst s1;
	(tag) =	ssettag s2;
	_ =	strace s9  }
0x27: {  	s1 =	sld [smem:$0x3FAF]  }
0x28: {  	s2 =	sld [smem:$0x3FB0]  }
0x29: {  	s4 =	sld [smem:$0x3FB2]  }
0x2a: {  	p0 =	seq.s32 s5, $0x0;
	s5 =	sld [smem:$0x3FB3]  }
0x2b: {  	s6 =	sld [smem:$0x3FB4]  }
0x2c: {  	s7 =	sld [smem:$0x3FB5]  }
0x2d: {  	s3 =	simm.s32 $0x108;
	s8 =	sld [smem:$0x3FB6]  }
0x2e: {  	s3 =	simm.s32 @!p0 $0x1082;
	s9 =	sld [smem:$0x3FB7]  }
0x2f: {  	lr =	sadd.s32 s0, s3;
	s0 =	sld [smem:$0x3FAE]  }
0x30: {  	s3 =	sld [smem:$0x3FB1]  }
0x31: {  	[smem:$0x3FBA] =	sst s10  }
0x32: {  	s10 =	sld [smem:$0x3FB8];
	_ =	sdelay $0x3  }
0x33: {  	p0 =	seq.s32 s10, $0x1;
	s10 =	sld [smem:$0x3FBA];
	_ =	sdelay $0x3  }
0x34: {  	[smem:$0x3FBA] =	sst s10  }
0x35: {  	s10 =	sld [smem:$0x3FB9];
	_ =	sdelay $0x3  }
0x36: {  	p1 =	seq.s32 s10, $0x1;
	s10 =	sld [smem:$0x3FBA];
	_ =	sdelay $0x3  }
0x37: {  	[smem:$0x3FBA] =	sst s10  }
0x38: {  	s10 =	sld [smem:$0x3FBB]  }
0x39: {  	_ = 	snop;
	(pc) =	sbr.ind lr, $3  }
0x3a: {  	_ = 	snop  }
0x3b: {  	_ = 	snop  }
0x3c: {  	p2 =	seq.s32 s10, $0x1;
	s10 =	sld [smem:$0x3FBA]  }
0x3d: {  	_ =	shalt  }
0x3e: {  	_ =	shalt  }
0x3f: {  	_ =	shalt  }
0x40: {  	_ =	shalt  }
0x41: {  	_ =	shalt  }
0x42: {  	_ =	shalt  }
0x43: {  	_ =	shalt  }
0x44: {  	_ =	shalt  }
0x45: {  	_ =	shalt  }
0x46: {  	_ =	shalt  }
0x47: {  	_ =	shalt  }
0x48: {  	_ =	shalt  }
0x49: {  	_ =	shalt  }
0x4a: {  	_ =	shalt  }
0x4b: {  	_ =	shalt  }
0x4c: {  	_ =	shalt  }
0x4d: {  	_ =	shalt  }
0x4e: {  	_ =	shalt  }
0x4f: {  	_ =	shalt  }
0x50: {  	_ =	shalt  }
0x51: {  	_ =	shalt  }
0x52: {  	_ =	shalt  }
0x53: {  	_ =	shalt  }
0x54: {  	_ =	shalt  }
0x55: {  	_ =	shalt  }
0x56: {  	_ =	shalt  }
0x57: {  	_ =	shalt  }
0x58: {  	_ =	shalt  }
0x59: {  	_ =	shalt  }
0x5a: {  	_ =	shalt  }
0x5b: {  	_ =	shalt  }
0x5c: {  	_ =	shalt  }
0x5d: {  	_ =	shalt  }
0x5e: {  	_ =	shalt  }
0x5f: {  	_ =	shalt  }
0x60: {  	_ =	shalt  }
0x61: {  	_ =	shalt  }
0x62: {  	_ =	shalt  }
0x63: {  	_ =	shalt  }
0x64: {  	_ =	shalt  }
0x65: {  	_ =	shalt  }
0x66: {  	_ =	shalt  }
0x67: {  	_ =	shalt  }
0x68: {  	_ =	shalt  }
0x69: {  	_ =	shalt  }
0x6a: {  	_ =	shalt  }
0x6b: {  	_ =	shalt  }
0x6c: {  	_ =	shalt  }
0x6d: {  	_ =	shalt  }
0x6e: {  	_ =	shalt  }
0x6f: {  	_ =	shalt  }
0x70: {  	_ =	shalt  }
0x71: {  	_ =	shalt  }
0x72: {  	_ =	shalt  }
0x73: {  	_ =	shalt  }
0x74: {  	_ =	shalt  }
0x75: {  	_ =	shalt  }
0x76: {  	_ =	shalt  }
0x77: {  	_ =	shalt  }
0x78: {  	_ =	shalt  }
0x79: {  	_ =	shalt  }
0x7a: {  	_ =	shalt  }
0x7b: {  	_ =	shalt  }
0x7c: {  	_ =	shalt  }
0x7d: {  	_ =	shalt  }
0x7e: {  	_ =	shalt  }
0x7f: {  	_ =	shalt  }
0x80: {  	_ =	shalt  }
0x81: {  	_ =	shalt  }
0x82: {  	_ =	shalt  }
0x83: {  	_ =	shalt  }
0x84: {  	_ =	shalt  }
0x85: {  	_ =	shalt  }
0x86: {  	_ =	shalt  }
0x87: {  	_ =	shalt  }
.Lfunc_end0:
.L_simem_size_0:
called_computation.2_lowered:
.L_overlay_start_0:
0x88: {  	s2 =	sld [smem:$0x3FD9]  }
0x89: {  	s3 =	sld [smem:$0x3FFE];
	_ =	sdelay $0x1  }
0x8a: {  	s1 =	srdreg.scid  }
0x8b: {  	s0 =	sand.u32 $0x1, s1  }
0x8c: {  	s17 =	sshll.u32 s0, $0xA;
	s2 =	sadd.s32 s3, s2  }
0x8d: {  	s2 =	sadd.s32 s2, s17  }
0x8e: {  	[smem:$0x3FC6] =	sst s2  }
0x8f: {  	_ = 	snop  }
0x90: {  	s2 =	sld [smem:$0x3FD0];
	(tm) =	ssettm $0x1  }
0x91: {  	s18 =	sld [smem:$0x3FFB];
	_ =	sdelay $0x3  }
0x92: {  	_ =	strace s18  }
0x93: {  	s3 =	sld [smem:$0x3FFC];
	_ =	sdelay $0x3  }
0x94: {  	_ =	strace s3  }
0x95: {  	s3 =	sld [smem:$0x3FFD];
	_ =	sdelay $0x3  }
0x96: {  	_ =	strace s3  }
0x97: {  	_ =	strace $0x8FFFFFFF  }
0x98: {  	s19 =	sld [smem:$0x3FDB];
	_ =	sdelay $0x1  }
0x99: {  	s4 =	simm.s32 $_scs_section_size  }
0x9a: {  	s5 =	simm.s32 $_size__tile_overlayer_lowered;
	s6 =	simm.s32 $_tile_overlayer_lowered  }
0x9b: {  	s22 =	simm.s32 $0x1BFF;
	s21 =	sshll.u32 s6, $0x1;
	s3 =	sadd.s32 s4, s19  }
0x9c: {  	s7 =	simm.s32 $0x0;
	s20 =	sshll.u32 s5, $0x1;
	s5 =	sadd.s32 s21, s3  }
0x9d: {  	[timem:s7], [sflag:s22] =	dma.local [hbm:s5], s20  }
0x9e: {  	_ =	swait.ge [sflag:s22], s20  }
0x9f: {  	s4 =	ssub.s32 $0x0, s20;
	[sflag:s22] =	ssyncset.done $0x0  }
0xa0: {  	[sflag:s22] =	ssyncadd.s32 s4;
	_ =	sdelay $0x1  }
0xa1: {  	s23 =	simm.s32 $0x1B8B  }
0xa2: {  	_ =	swait.ge [sflag:s23], $0x1  }
0xa3: {  	[sflag:s23] =	ssyncset.done $0x0  }
0xa4: {  	s25 =	simm.s32 $0x1B8E;
	s24 =	sld [smem:$0x3FFE];
	[sflag:s23] =	ssyncadd.s32 $0xFFFFFFFF  }
0xa5: {  	s26 =	simm.s32 $execute0_lowered;
	[smem:$0x3FD2] =	sst s25  }
0xa6: {  	s5 =	sshll.u32 s26, $0x1;
	_ =	strace $0x80000049;
	[dreg:$0x1] =	wrdreg $0xFFFFFFFF  }
0xa7: {  	s28 =	simm.s32 $_size_execute0_lowered;
	s3 =	sadd.s32 s3, s5;
	[dreg:$0x0] =	wrdreg $0x0  }
0xa8: {  	s5 =	sshll.u32 s28, $0x1;
	[dreg:$0x2] =	wrdreg s3  }
0xa9: {  	[dreg:$0x3] =	wrdreg s5  }
0xaa: {  	[dreg:$0x4] =	wrdreg $0xC0  }
0xab: {  	_ =	task [dreg:s7], $0x5FFFF  }
0xac: {  	[dreg:$0x1] =	wrdreg $0xFFFFFFFF  }
0xad: {  	[dreg:$0x0] =	wrdreg $0x60  }
0xae: {  	[dreg:$0x2] =	wrdreg s24  }
0xaf: {  	[dreg:$0x3] =	wrdreg s2  }
0xb0: {  	[dreg:$0x4] =	wrdreg $0x9  }
0xb1: {  	_ =	task.clear_ibuf [dreg:s7], $0x5FFFF;
	_ =	strace $0x90000049  }
0xb2: {  	s29 =	simm.s32 $0x9;
	_ =	strace $0x8000004B  }
0xb3: {  	_ =	swait.ge [sflag:s29], $0x1  }
0xb4: {  	[sflag:s29] =	ssyncadd.s32 $0xFFFFFFFF  }
0xb5: {  	_ =	strace $0x9000004B  }
0xb6: {  	_ =	sfence  }
0xb7: {  	s30 =	sld [smem:$0x0];
	_ =	sdelay $0x2  }
0xb8: {  	s31 =	sshll.u32 s1, $0xD;
	s1 =	sshrl.u32 s1, $0x2  }
0xb9: {  	s3 =	sand.u32 $0x4000, s31;
	s1 =	sadd.s32 s1, s30  }
0xba: {  	s0 =	sor.u32 s3, s0;
	s1 =	sshll.u32 s1, $0x11  }
0xbb: {  	s0 =	sor.u32 s1, s0  }
0xbc: {  	s0 =	sadd.s32 $0x8F2B, s0  }
0xbd: {  	[sflag:s0] =	ssyncadd.remote.s32 $0x1  }
0xbe: {  	_ =	sfence.sel $0xFFFF  }
0xbf: {  	[dreg:$0x0] =	wrdreg $0xFFFFFFFF;
	(pc) =	sbr.abs _section_cstart, $3  }
0xc0: {  	[dreg:$0x1] =	wrdreg $0xFFFFFFFF  }
0xc1: {  	_ =	task.clear_ibuf [dreg:s7], $0x2FFFF;
	_ =	strace $0x9FFFFFFF  }
0xc2: {  	(tm) =	ssettm $0x7FFFFFFF  }
0xc3: {  	_ =	shalt  }
tec
execute0_lowered:
.L_overlay_start_1:
0x0: {  	(tag) =	ssettag $0x1  }
0x1: {  	s0 =	srdreg.scid;
	s1 =	rddreg [dreg:$0x0]  }
0x2: {  	s10 =	stileid.u32;
	s8 =	rddreg [dreg:$0x1]  }
0x3: {  	s11 =	simm.s32 $0xB;
	s12 =	simm.s32 $0x200;
	s13 =	simm.s32 $0x6400  }
0x4: {  	s14 =	simm.s32 $0xA400;
	s16 =	simm.s32 $0xE400;
	s18 =	simm.s32 $0x12400  }
0x5: {  	s19 =	simm.s32 $0x800;
	s20 =	simm.s32 $0x16400;
	s21 =	simm.s32 $0x1  }
0x6: {  	s22 =	simm.s32 $0x2;
	s28 =	simm.s32 $0x7;
	s4 =	smul.u32 $0xC800, s10  }
0x7: {  	s29 =	simm.s32 $0x8;
	s0 =	sand.u32 $0x1, s0;
	s25 =	smul.u32 $0x32000, s10  }
0x8: {  	s30 =	simm.s32 $0x9;
	s2 =	sshll.u32 s10, $0x1;
	s6 =	smul.u32 $0x6400, s0  }
0x9: {  	s3 =	sor.u32 s0, s2;
	s5 =	ssub.s32 $0x2, s0;
	s0 =	smul.u32 $0x19000, s0  }
0xa: {  	s31 =	simm.s32 $0xA;
	s2 =	simm.s32 $0x0;
	s3 =	smul.u32 $0x6400, s3  }
0xb: {  	[smem:$0x7FF] =	sst s2;
	s9 =	sshrl.u32 s5, $0x1;
	s10 =	sadd.s32 s25, s8  }
0xc: {  	s25 =	simm.s32 $0x5;
	_ =	strace $0x8000004A;
	s23 =	ssub.s32 s5, s9  }
0xd: {  	s24 =	sadd.s32 s6, s4;
	s10 =	sadd.s32 s0, s10;
	s3 =	sshrl.u32 s3, $0x3  }
.Ltmp0:
0xe: {  	s6 =	sshll.u32 s24, $0x2;
	s5 =	smax.u32 s23, $0x1;
	(pc) =	sbr.rel .LBB2_1-.Ltmp0, $4  }
0xf: {  	s23 =	simm.s32 $0x3;
	s24 =	simm.s32 $0x4;
	s7 =	sadd.s32 s3, s1  }
0x10: {  	s3 =	sadd.s32 $0xF5C400, s1;
	s26 =	sadd.s32 s6, s8;
	s1 =	simm.s32 $0x0  }
0x11: {  	s4 =	sadd.s32 $0x1000, s7;
	s6 =	sadd.s32 $0x2000, s26;
	s7 =	sadd.s32 $0x1800, s26  }
0x12: {  	s8 =	sadd.s32 $0x1000, s26;
	s9 =	sadd.s32 $0x800, s26;
	s26 =	simm.s32 $0x6  }
.LBB2_4:
0x13: {  	_ =	swait.ge [sflag:s28], $0x4000  }
0x14: {  	[sflag:s28] =	ssyncset.done $0x0  }
0x15: {  	[sflag:s28] =	ssyncadd.s32 $0xFFFFC000  }
0x16: {  	_ =	swait.ge [sflag:s29], $0x4000  }
0x17: {  	[sflag:s29] =	ssyncset.done $0x0  }
0x18: {  	s1 =	sadd.s32 $0x1, s1;
	[sflag:s29] =	ssyncadd.s32 $0xFFFFC000  }
0x19: {  	p0 =	sne.s32 s1, s5;
	_ =	swait.ge [sflag:s30], $0x4000  }
.Ltmp1:
0x1a: {  	[sflag:s30] =	ssyncset.done $0x0;
	(pc) =	sbr.rel @!p0 .LBB2_5-.Ltmp1, $4  }
0x1b: {  	[sflag:s30] =	ssyncadd.s32 $0xFFFFC000  }
0x1c: {  	_ =	swait.ge [sflag:s31], $0x4000  }
0x1d: {  	[sflag:s31] =	ssyncset.done $0x0  }
0x1e: {  	[sflag:s31] =	ssyncadd.s32 $0xFFFFC000  }
.LBB2_1:
0x1f: {  	[tilespmem:s2], [sflag:$0xB] =	stream.linear.gather [hbm4b:s4+s2], $0x6400, $0x38;
	[tilespmem:$0x1A400] =	vst v63  }
0x20: {  	_ =	swait.ge [sflag:s11], $0x6400  }
0x21: {  	[sflag:s11] =	ssyncset.done $0x0  }
0x22: {  	[sflag:s11] =	ssyncadd.s32 $0xFFFF9C00  }
0x23: {  	[tilespmem:s13], [sflag:$0x1] =	stream.indirect.gather [hbm4b:s3+s12], $0x20, s2, s12, $0xb8;
	[tilespmem:$0x1A400] =	vst v63  }
0x24: {  	_ = 	snop  }
0x25: {  	[tilespmem:s14], [sflag:$0x2] =	stream.indirect.gather [hbm4b:s3+s12], $0x20, s12, s12, $0xb8;
	[tilespmem:$0x1A400] =	vst v63  }
0x26: {  	s0 =	simm.s32 $0x400  }
0x27: {  	[tilespmem:s16], [sflag:$0x3] =	stream.indirect.gather [hbm4b:s3+s12], $0x20, s0, s12, $0xb8;
	[tilespmem:$0x1A400] =	vst v63  }
0x28: {  	s17 =	simm.s32 $0x600  }
0x29: {  	[tilespmem:s18], [sflag:$0x4] =	stream.indirect.gather [hbm4b:s3+s12], $0x20, s17, s12, $0xb8;
	[tilespmem:$0x1A400] =	vst v63  }
0x2a: {  	s0 =	simm.s32 $0x0  }
0x2b: {  	[tilespmem:s20], [sflag:$0x5] =	stream.indirect.gather [hbm4b:s3+s12], $0x20, s19, s12, $0xb8;
	[tilespmem:$0x1A400] =	vst v63  }
.LBB2_2:
0x2c: {  	_ =	swait.ge [sflag:s21], $0x4000  }
0x2d: {  	[sflag:s21] =	ssyncset.done $0x0  }
0x2e: {  	s15 =	sadd.s32 s0, s10;
	[sflag:s21] =	ssyncadd.s32 $0xFFFFC000  }
0x2f: {  	[hbm4b:s15+s2] =	stream.linear.scatter [tilespmem:s13], [sflag:$0x6], $0x4000, $0x38;
	[tilespmem:$0x1A400] =	vst v63  }
0x30: {  	_ =	swait.ge [sflag:s22], $0x4000  }
0x31: {  	[sflag:s22] =	ssyncset.done $0x0  }
0x32: {  	s17 =	sadd.s32 s0, s9;
	[sflag:s22] =	ssyncadd.s32 $0xFFFFC000  }
0x33: {  	[hbm4b:s17+s2] =	stream.linear.scatter [tilespmem:s14], [sflag:$0x7], $0x4000, $0x38;
	[tilespmem:$0x1A400] =	vst v63  }
0x34: {  	_ =	swait.ge [sflag:s23], $0x4000  }
0x35: {  	[sflag:s23] =	ssyncset.done $0x0  }
0x36: {  	s17 =	sadd.s32 s0, s8;
	[sflag:s23] =	ssyncadd.s32 $0xFFFFC000  }
0x37: {  	[hbm4b:s17+s2] =	stream.linear.scatter [tilespmem:s16], [sflag:$0x8], $0x4000, $0x38;
	[tilespmem:$0x1A400] =	vst v63  }
0x38: {  	_ =	swait.ge [sflag:s24], $0x4000  }
0x39: {  	[sflag:s24] =	ssyncset.done $0x0  }
0x3a: {  	s17 =	sadd.s32 s0, s7;
	[sflag:s24] =	ssyncadd.s32 $0xFFFFC000  }
0x3b: {  	[hbm4b:s17+s2] =	stream.linear.scatter [tilespmem:s18], [sflag:$0x9], $0x4000, $0x38;
	[tilespmem:$0x1A400] =	vst v63  }
0x3c: {  	_ =	swait.ge [sflag:s25], $0x4000  }
0x3d: {  	p0 =	seq.s32 s0, $0x16800;
	[sflag:s25] =	ssyncset.done $0x0  }
.Ltmp2:
0x3e: {  	s17 =	sadd.s32 s0, s6;
	[sflag:s25] =	ssyncadd.s32 $0xFFFFC000;
	(pc) =	sbr.rel @p0 .LBB2_4-.Ltmp2, $4  }
0x3f: {  	[hbm4b:s17+s2] =	stream.linear.scatter [tilespmem:s20], [sflag:$0xA], $0x4000, $0x38;
	[tilespmem:$0x1A400] =	vst v63  }
0x40: {  	_ =	swait.ge [sflag:s26], $0x4000  }
0x41: {  	[sflag:s26] =	ssyncset.done $0x0  }
0x42: {  	[sflag:s26] =	ssyncadd.s32 $0xFFFFC000  }
0x43: {  	s15 =	sshra.s32 s0, $0x2  }
0x44: {  	s17 =	sadd.s32 $0xA00, s15  }
0x45: {  	[tilespmem:s13], [sflag:$0x1] =	stream.indirect.gather [hbm4b:s3+s12], $0x20, s17, s12, $0xb8;
	[tilespmem:$0x1A400] =	vst v63  }
0x46: {  	_ =	swait.ge [sflag:s28], $0x4000  }
0x47: {  	[sflag:s28] =	ssyncset.done $0x0  }
0x48: {  	s17 =	sadd.s32 $0xC00, s15;
	[sflag:s28] =	ssyncadd.s32 $0xFFFFC000  }
0x49: {  	[tilespmem:s14], [sflag:$0x2] =	stream.indirect.gather [hbm4b:s3+s12], $0x20, s17, s12, $0xb8;
	[tilespmem:$0x1A400] =	vst v63  }
0x4a: {  	_ =	swait.ge [sflag:s29], $0x4000  }
0x4b: {  	[sflag:s29] =	ssyncset.done $0x0  }
0x4c: {  	s17 =	sadd.s32 $0xE00, s15;
	[sflag:s29] =	ssyncadd.s32 $0xFFFFC000  }
0x4d: {  	[tilespmem:s16], [sflag:$0x3] =	stream.indirect.gather [hbm4b:s3+s12], $0x20, s17, s12, $0xb8;
	[tilespmem:$0x1A400] =	vst v63  }
0x4e: {  	_ =	swait.ge [sflag:s30], $0x4000  }
0x4f: {  	[sflag:s30] =	ssyncset.done $0x0  }
0x50: {  	s17 =	sadd.s32 $0x1000, s15;
	[sflag:s30] =	ssyncadd.s32 $0xFFFFC000  }
0x51: {  	[tilespmem:s18], [sflag:$0x4] =	stream.indirect.gather [hbm4b:s3+s12], $0x20, s17, s12, $0xb8;
	[tilespmem:$0x1A400] =	vst v63  }
.Ltmp3:
0x52: {  	_ = 	snop;
	(pc) =	sbr.rel .LBB2_2-.Ltmp3, $4  }
0x53: {  	_ =	swait.ge [sflag:s31], $0x4000  }
0x54: {  	[sflag:s31] =	ssyncset.done $0x0  }
0x55: {  	s0 =	sadd.s32 $0x2800, s0;
	s15 =	sadd.s32 $0x1200, s15;
	[sflag:s31] =	ssyncadd.s32 $0xFFFFC000  }
0x56: {  	[tilespmem:s20], [sflag:$0x5] =	stream.indirect.gather [hbm4b:s3+s12], $0x20, s15, s12, $0xb8;
	[tilespmem:$0x1A400] =	vst v63  }
.LBB2_5:
0x57: {  	_ =	sfence.sel $0x180000  }
0x58: {  	[bflag:$0x0] =	sbarrier.arrive $0xFFFF  }
0x59: {  	_ =	strace $0x9000004A  }
0x5a: {  	s0 =	stileid.u32;
	[bflag:$0x2] =	sbarrier.arrive $0xFFFF  }
0x5b: {  	p0 =	sne.s32 s0, $0x0;
	s0 =	rddreg [dreg:$0x2]  }
0x5c: {  	s0 =	sadd.s32 @!p0 $0x100000, s0  }
0x5d: {  	[sflag:s0] =	ssyncadd.tile.s32 @!p0 $0x1;
	_ =	shalt  }
.Lfunc_end2:
_tile_overlayer_lowered:
.L_overlay_start_2:
0x5e: {  	(tag) =	ssettag $0x2  }
0x5f: {  	s0 =	rddreg [dreg:$0x0];
	s2 =	stileid.u32  }
0x60: {  	s1 =	rddreg [dreg:$0x1];
	p0 =	sne.s32 s2, $0x0  }
0x61: {  	s3 =	rddreg [dreg:$0x2];
	[bflag:$0x3] =	sbarrier.arrive $0xFFFF;
	s2 =	simm.s32 @!p0 $0x1C0B  }
0x62: {  	[timem:s3], [sflag:s2] =	dma.local @!p0 [hbm:s0], s1  }
0x63: {  	s0 =	simm.s32 @!p0 $0xB  }
0x64: {  	_ =	swait.ge @!p0 [sflag:s0], s1  }
0x65: {  	s1 =	ssub.s32 @!p0 $0x0, s1;
	[sflag:s0] =	ssyncset.done @!p0 $0x0  }
0x66: {  	[sflag:s0] =	ssyncadd.s32 @!p0 s1  }
0x67: {  	[bflag:$0x3] =	sbarrier.arrive $0xFFFF  }
0x68: {  	_ =	shalt  }

// kernel: sparse-core-data-format-call.cloned.1.call-start
scs
called_computation_lowered:
.L_overlay_start_0:
0x0: {  	s2 =	sld [smem:$0x3FD9]  }
0x1: {  	s3 =	sld [smem:$0x3FFE];
	_ =	sdelay $0x1  }
0x2: {  	s1 =	srdreg.scid  }
0x3: {  	s0 =	sand.u32 $0x1, s1  }
0x4: {  	s18 =	sshll.u32 s0, $0xA;
	s2 =	sadd.s32 s3, s2  }
0x5: {  	s2 =	sadd.s32 s2, s18  }
0x6: {  	[smem:$0x3FC6] =	sst s2  }
0x7: {  	_ = 	snop  }
0x8: {  	s2 =	sld [smem:$0x3FD0];
	(tm) =	ssettm $0x1  }
0x9: {  	s19 =	sld [smem:$0x3FFB];
	_ =	sdelay $0x3  }
0xa: {  	_ =	strace s19  }
0xb: {  	s3 =	sld [smem:$0x3FFC];
	_ =	sdelay $0x3  }
0xc: {  	_ =	strace s3  }
0xd: {  	s3 =	sld [smem:$0x3FFD];
	_ =	sdelay $0x3  }
0xe: {  	_ =	strace s3  }
0xf: {  	_ =	strace $0x8FFFFFFF  }
0x10: {  	s20 =	sld [smem:$0x3FDB];
	_ =	sdelay $0x1  }
0x11: {  	s4 =	simm.s32 $_scs_section_size  }
0x12: {  	s5 =	simm.s32 $_size__tile_overlayer_lowered;
	s6 =	simm.s32 $_tile_overlayer_lowered  }
0x13: {  	s23 =	simm.s32 $0x1BFF;
	s22 =	sshll.u32 s6, $0x1;
	s3 =	sadd.s32 s4, s20  }
0x14: {  	s7 =	simm.s32 $0x0;
	s21 =	sshll.u32 s5, $0x1;
	s5 =	sadd.s32 s22, s3  }
0x15: {  	[timem:s7], [sflag:s23] =	dma.local [hbm:s5], s21  }
0x16: {  	_ =	swait.ge [sflag:s23], s21  }
0x17: {  	s4 =	ssub.s32 $0x0, s21;
	[sflag:s23] =	ssyncset.done $0x0  }
0x18: {  	[sflag:s23] =	ssyncadd.s32 s4;
	_ =	sdelay $0x1  }
0x19: {  	s24 =	simm.s32 $0x1B8B  }
0x1a: {  	_ =	swait.ge [sflag:s24], $0x1  }
0x1b: {  	[sflag:s24] =	ssyncset.done $0x0  }
0x1c: {  	s26 =	simm.s32 $0x1B8E;
	s25 =	sld [smem:$0x3FFE];
	[sflag:s24] =	ssyncadd.s32 $0xFFFFFFFF  }
0x1d: {  	s27 =	simm.s32 $execute0_lowered;
	[smem:$0x3FD2] =	sst s26  }
0x1e: {  	s5 =	sshll.u32 s27, $0x1;
	_ =	strace $0x8000004F;
	[dreg:$0x1] =	wrdreg $0xFFFFFFFF  }
0x1f: {  	s28 =	simm.s32 $_size_execute0_lowered;
	s3 =	sadd.s32 s3, s5;
	[dreg:$0x0] =	wrdreg $0x0  }
0x20: {  	s5 =	sshll.u32 s28, $0x1;
	[dreg:$0x2] =	wrdreg s3  }
0x21: {  	[dreg:$0x3] =	wrdreg s5  }
0x22: {  	[dreg:$0x4] =	wrdreg $0xC0  }
0x23: {  	_ =	task [dreg:s7], $0x5FFFF  }
0x24: {  	[dreg:$0x1] =	wrdreg $0xFFFFFFFF  }
0x25: {  	[dreg:$0x0] =	wrdreg $0x60  }
0x26: {  	[dreg:$0x2] =	wrdreg s25  }
0x27: {  	[dreg:$0x3] =	wrdreg s2  }
0x28: {  	[dreg:$0x4] =	wrdreg $0x9  }
0x29: {  	_ =	task.clear_ibuf [dreg:s7], $0x5FFFF;
	_ =	strace $0x9000004F  }
0x2a: {  	s29 =	simm.s32 $0x9;
	_ =	strace $0x80000051  }
0x2b: {  	_ =	swait.ge [sflag:s29], $0x1  }
0x2c: {  	[sflag:s29] =	ssyncadd.s32 $0xFFFFFFFF  }
0x2d: {  	_ =	strace $0x90000051  }
0x2e: {  	_ =	sfence  }
0x2f: {  	s30 =	sld [smem:$0x0];
	_ =	sdelay $0x2  }
0x30: {  	s31 =	sshll.u32 s1, $0xD;
	s1 =	sshrl.u32 s1, $0x2  }
0x31: {  	s3 =	sand.u32 $0x4000, s31;
	s1 =	sadd.s32 s1, s30  }
0x32: {  	s0 =	sor.u32 s3, s0;
	s1 =	sshll.u32 s1, $0x11  }
0x33: {  	s0 =	sor.u32 s1, s0  }
0x34: {  	s0 =	sadd.s32 $0x8F2B, s0  }
0x35: {  	[sflag:s0] =	ssyncadd.remote.s32 $0x1  }
0x36: {  	_ =	sfence.sel $0xFFFF  }
0x37: {  	[dreg:$0x0] =	wrdreg $0xFFFFFFFF;
	(pc) =	sbr.abs _section_cstart, $3  }
0x38: {  	[dreg:$0x1] =	wrdreg $0xFFFFFFFF  }
0x39: {  	_ =	task.clear_ibuf [dreg:s7], $0x2FFFF;
	_ =	strace $0x9FFFFFFF  }
0x3a: {  	(tm) =	ssettm $0x7FFFFFFF  }
0x3b: {  	_ =	shalt  }
tec
execute0_lowered:
.L_overlay_start_1:
0x0: {  	(tag) =	ssettag $0x1  }
0x1: {  	s0 =	srdreg.scid  }
0x2: {  	s1 =	sshll.u32 s0, $0x4  }
0x3: {  	s0 =	stileid.u32;
	s1 =	sand.u32 $0x10, s1  }
0x4: {  	s1 =	sor.u32 s0, s1  }
0x5: {  	s6 =	rddreg [dreg:$0x0];
	s4 =	simm.s32 $0x1;
	s2 =	sshll.u32 s1, $0x7  }
0x6: {  	s7 =	simm.s32 $0x2;
	s12 =	simm.s32 $0x0;
	s1 =	ssub.s32 $0x1000, s2  }
0x7: {  	s8 =	simm.s32 $0x8000;
	s13 =	simm.s32 $0x0;
	s3 =	sand.u32 $0xF80, s1  }
0x8: {  	s9 =	simm.s32 $0x0;
	s5 =	sshrl.u32 s1, $0xC;
	p0 =	sne.s32 s3, $0x0  }
.Ltmp0:
0x9: {  	s1 =	rddreg [dreg:$0x2];
	s4 =	simm.s32 @!p0 $0x0;
	(pc) =	sbr.rel .LBB1_1-.Ltmp0, $4  }
0xa: {  	s11 =	simm.s32 $0x0;
	s3 =	rddreg [dreg:$0x1];
	s5 =	sadd.s32 s4, s5  }
0xb: {  	_ =	strace $0x80000050;
	s4 =	simm.s32 $0x1;
	s5 =	smul.u32 $0xC8, s5  }
0xc: {  	s6 =	sadd.s32 $0x1000, s6;
	s10 =	smov.u32 s2;
	[sflag:s4] =	ssyncpa.u1 $0x0  }
0xd: {  	p0 =	por $0x0, $0x0;
	[sflag:s7] =	ssyncpa.u1 $0x0;
	s7 =	sor.u32 $0x1, s5  }
.LBB1_4:
0xe: {  	s16 =	sshll.u32 s13, $0x3;
	s17 =	sand.u32 $0x78, s13  }
0xf: {  	s30 =	sand.u32 $0x3E00, s13;
	s12 =	sshll.u32 s12, $0xE;
	s16 =	sand.u32 $0xC00, s16  }
0x10: {  	s31 =	sand.u32 $0x7, s13;
	s16 =	sor.u32 s17, s16;
	s17 =	sadd.s32 s3, s30  }
0x11: {  	s13 =	sshll.u32 s31, $0x12;
	s16 =	sshrl.u32 s16, $0x3;
	s12 =	sadd.s32 s12, s17  }
0x12: {  	[tilespmem:s15+$0x0 ss:$0x81] =	vst.msk $0xffff, v0;
	s13 =	sor.u32 $0x400, s13;
	s12 =	sadd.s32 s16, s12  }
0x13: {  	[hbm4b:s12+s13] =	stream.strided.scatter [tilespmem:s14], [sflag:$0x2], $0x1000, s8, s13, $0x20;
	[tilespmem:$0x4040] =	vst v63  }
.LBB1_5:
0x14: {  	s14 =	sadd.s32 $0x1, s9  }
0x15: {  	s12 =	sadd.s32 $0x1000, s10;
	s16 =	smov.u32 s10;
	p2 =	sgt.s32 s14, $0xC7  }
0x16: {  	s16 =	smov.u32 @p2 s12  }
0x17: {  	s14 =	simm.s32 @p2 $0x0;
	p2 =	sgt.s32 s16, $0xFFF  }
0x18: {  	s16 =	smov.u32 @p2 s2;
	p2 =	sne.s32 s11, s7  }
.Ltmp1:
0x19: {  	p1 =	slt.u32 s11, $0x2;
	(pc) =	sbr.rel @!p2 .LBB1_6-.Ltmp1, $4  }
0x1a: {  	s15 =	simm.s32 @!p1 $0x2  }
0x1b: {  	s13 =	smov.u32 s10;
	p0 =	por !p0, !p0;
	_ =	swait.ge @!p1 [sflag:s15], $0x1000  }
0x1c: {  	s12 =	smov.u32 s9;
	[sflag:s15] =	ssyncset.done @!p1 $0x0;
	s9 =	smov.u32 s14  }
0x1d: {  	s11 =	sadd.s32 $0x1, s11;
	[sflag:s15] =	ssyncadd.s32 @!p1 $0xFFFFF000;
	s10 =	smov.u32 s16  }
.LBB1_1:
0x1e: {  	p1 =	sge.u32 s11, s5  }
0x1f: {  	s14 =	sand.u32 @!p1 $0x1FFFFFF, s9  }
0x20: {  	s15 =	smulhi.u32 @!p1 $0x147AE15, s14;
	_ =	sdelay $0x1  }
0x21: {  	s15 =	smul.u32 @!p1 $0xC8, s15  }
0x22: {  	s16 =	sxor.u32 @!p1 $0xFFFFFFFF, s11;
	s17 =	smul.u32 @!p1 $0xC80, s10  }
0x23: {  	s31 =	sadd.s32 $0xFFFFFFFF, s11;
	s16 =	sshll.u32 @!p1 s16, $0xC;
	s14 =	ssub.s32 @!p1 s14, s15  }
0x24: {  	s15 =	sand.u32 @!p1 $0x1000, s16;
	s16 =	sadd.s32 @!p1 s6, s17;
	s14 =	sshll.u32 @!p1 s14, $0x4  }
0x25: {  	s17 =	simm.s32 @!p1 $0x6400;
	s14 =	sadd.s32 @!p1 s14, s16;
	s16 =	simm.s32 @!p1 $0x20  }
0x26: {  	[tilespmem:s15], [sflag:$0x1] =	stream.strided.gather @!p1 [hbm4b:s14+s16], $0x1000, s17, s16, $0x38;
	[tilespmem:$0x4040] =	vst v63  }
0x27: {  	p1 =	sge.u32 s31, s5  }
.Ltmp2:
0x28: {  	_ = 	snop;
	(pc) =	sbr.rel @p1 .LBB1_5-.Ltmp2, $1  }
0x29: {  	_ =	sdelay $0x3  }
0x2a: {  	s14 =	simm.s32 $0x1  }
0x2b: {  	_ =	swait.ge [sflag:s4], $0x1000;
	s14 =	simm.s32 @!p0 $0x0  }
0x2c: {  	[sflag:s4] =	ssyncset.done $0x0;
	s15 =	sshll.u32 s14, $0xC  }
0x2d: {  	[sflag:s4] =	ssyncadd.s32 $0xFFFFF000;
	s18 =	sor.u32 $0x10, s15  }
0x2e: {  	s14 =	smul.u32 $0x4080, s14;
	v1 =	vld [tilespmem:s18+$0x0]  }
0x2f: {  	s30 =	sand.u32 $0x1, s11;
	v0 =	vld [tilespmem:s18+$0xFFFFFFF0]  }
0x30: {  	s15 =	smul.u32 $0x4080, s30;
	s14 =	sshrl.u32 s14, $0x2  }
0x31: {  	s16 =	sor.u32 $0x2000, s14  }
0x32: {  	s31 =	sshrl.u32 s15, $0x2;
	s15 =	sadd.s32 $0x0, s16  }
0x33: {  	s17 =	simm.s32 $0x4;
	s18 =	sadd.s32 $0x20, s18;
	s14 =	sor.u32 $0x2000, s31;
	[tilespmem:s15+$0x810 ss:$0x81] =	vst.msk $0xffff, v1  }
.LBB1_3:
0x34: {  	v1 =	vld [tilespmem:s18+$0x0];
	p1 =	sne.s32 s17, $0x1FC;
	[tilespmem:s15+$0x0 ss:$0x81] =	vst.msk $0xffff, v0;
	s15 =	smov.u32 s17;
	s17 =	sadd.s32 $0x4, s17  }
.Ltmp3:
0x35: {  	v0 =	vld [tilespmem:s18+$0xFFFFFFF0];
	(pc) =	sbr.rel @p1 .LBB1_3-.Ltmp3, $4  }
0x36: {  	_ = 	snop  }
0x37: {  	s15 =	sshra.s32 s15, $0x2  }
0x38: {  	s15 =	sadd.s32 s15, s16  }
0x39: {  	s18 =	sadd.s32 $0x20, s18;
	[tilespmem:s15+$0x810 ss:$0x81] =	vst.msk $0xffff, v1  }
.Ltmp4:
0x3a: {  	_ = 	snop;
	(pc) =	sbr.rel .LBB1_4-.Ltmp4, $1  }
0x3b: {  	_ =	sdelay $0x3  }
.LBB1_6:
0x3c: {  	_ =	sfence.sel $0x180000  }
0x3d: {  	s2 =	simm.s32 $0x1;
	[bflag:$0x0] =	sbarrier.arrive $0xFFFF  }
0x3e: {  	s31 =	simm.s32 $0x2;
	[sflag:s2] =	ssyncpa.u1 $0x1  }
0x3f: {  	[sflag:s31] =	ssyncpa.u1 $0x1  }
0x40: {  	p0 =	sne.s32 s0, $0x0;
	_ =	strace $0x90000050  }
0x41: {  	s0 =	sadd.s32 @!p0 $0x100000, s1;
	[bflag:$0x2] =	sbarrier.arrive $0xFFFF  }
0x42: {  	[sflag:s0] =	ssyncadd.tile.s32 @!p0 $0x1;
	_ =	shalt  }
.Lfunc_end1:
_tile_overlayer_lowered:
.L_overlay_start_2:
0x43: {  	(tag) =	ssettag $0x2  }
0x44: {  	s0 =	rddreg [dreg:$0x0];
	s2 =	stileid.u32  }
0x45: {  	s1 =	rddreg [dreg:$0x1];
	p0 =	sne.s32 s2, $0x0  }
0x46: {  	s3 =	rddreg [dreg:$0x2];
	[bflag:$0x3] =	sbarrier.arrive $0xFFFF;
	s2 =	simm.s32 @!p0 $0x1C01  }
0x47: {  	[timem:s3], [sflag:s2] =	dma.local @!p0 [hbm:s0], s1  }
0x48: {  	s0 =	simm.s32 @!p0 $0x1  }
0x49: {  	_ =	swait.ge @!p0 [sflag:s0], s1  }
0x4a: {  	s1 =	ssub.s32 @!p0 $0x0, s1;
	[sflag:s0] =	ssyncset.done @!p0 $0x0  }
0x4b: {  	[sflag:s0] =	ssyncadd.s32 @!p0 s1  }
0x4c: {  	[bflag:$0x3] =	sbarrier.arrive $0xFFFF  }
0x4d: {  	_ =	shalt  }

</sc_bundles>
